<compile_context>
chip_gen: v7x
topology: tpu7x:2x2x1
jax: 0.10.2.dev20260603
libtpu: 0.0.44.dev20260713+nightly
codegen_flags: <defaults>
</compile_context>

<pallas_src>
import functools

import jax
import jax.numpy as jnp
from jax.experimental import pallas as pl
from jax.experimental.pallas import tpu as pltpu
from jax.experimental.pallas import tpu_sc as plsc

_B = 640
_THRESH = 0.5

_NC, _NS, _L = 2, 16, 16
_NW = _NC * _NS


def _gather_body(bflat, sflat, orderp, bt, box_v, sco_v, idx_v,
                 x1_v, y1_v, x2_v, y2_v, ar_v, sc_v):
    wid = jax.lax.axis_index("s") * _NC + jax.lax.axis_index("c")
    npad = bt.shape[0] // 8
    rows = npad // _NW
    base = wid * rows
    pltpu.sync_copy(bflat, box_v)
    pltpu.sync_copy(sflat, sco_v)
    pltpu.sync_copy(orderp.at[pl.ds(base, rows)], idx_v)
    for k in range(rows // _L):
        sl = pl.ds(k * _L, _L)
        idx = idx_v[sl]
        i4 = idx * 4
        x1 = plsc.load_gather(box_v, [i4])
        y1 = plsc.load_gather(box_v, [i4 + 1])
        x2 = plsc.load_gather(box_v, [i4 + 2])
        y2 = plsc.load_gather(box_v, [i4 + 3])
        x1_v[sl] = x1
        y1_v[sl] = y1
        x2_v[sl] = x2
        y2_v[sl] = y2
        ar_v[sl] = (x2 - x1) * (y2 - y1)
        sc_v[sl] = plsc.load_gather(sco_v, [idx])
    pltpu.sync_copy(x1_v, bt.at[pl.ds(0 * npad + base, rows)])
    pltpu.sync_copy(y1_v, bt.at[pl.ds(1 * npad + base, rows)])
    pltpu.sync_copy(x2_v, bt.at[pl.ds(2 * npad + base, rows)])
    pltpu.sync_copy(y2_v, bt.at[pl.ds(3 * npad + base, rows)])
    pltpu.sync_copy(ar_v, bt.at[pl.ds(4 * npad + base, rows)])
    pltpu.sync_copy(sc_v, bt.at[pl.ds(5 * npad + base, rows)])


def _sc_sorted_gather(bflat, sflat, orderp, npad):
    rows = npad // _NW
    body = functools.partial(
        pl.kernel,
        out_type=jax.ShapeDtypeStruct((8 * npad,), jnp.float32),
        mesh=plsc.VectorSubcoreMesh(core_axis_name="c", subcore_axis_name="s"),
        compiler_params=pltpu.CompilerParams(needs_layout_passes=False),
        scratch_types=[
            pltpu.VMEM(bflat.shape, jnp.float32),
            pltpu.VMEM(sflat.shape, jnp.float32),
            pltpu.VMEM((rows,), jnp.int32),
        ] + [pltpu.VMEM((rows,), jnp.float32)] * 6,
    )(_gather_body)
    return body(bflat, sflat, orderp)


def _nms_kernel(bt_ref, btc_ref, out_ref, keep_ref, m_ref, cb_ref):
    npad = bt_ref.shape[1]
    nb = npad // _B

    def iou_tile(jb):
        sx1 = bt_ref[0:1, pl.ds(jb, _B)]
        sy1 = bt_ref[1:2, pl.ds(jb, _B)]
        sx2 = bt_ref[2:3, pl.ds(jb, _B)]
        sy2 = bt_ref[3:4, pl.ds(jb, _B)]
        sar = bt_ref[4:5, pl.ds(jb, _B)]
        xx1 = jnp.maximum(cb_ref[0], sx1)
        yy1 = jnp.maximum(cb_ref[1], sy1)
        xx2 = jnp.minimum(cb_ref[2], sx2)
        yy2 = jnp.minimum(cb_ref[3], sy2)
        iw = jnp.maximum(xx2 - xx1, 0.0)
        ih = jnp.maximum(yy2 - yy1, 0.0)
        inter = iw * ih
        union = (cb_ref[4] + sar) - inter
        return inter / (union + 1e-9)

    def outer(i, carry):
        base = i * _B
        for c in range(5):
            cb_ref[c] = jnp.broadcast_to(
                btc_ref[pl.ds(base, _B), c:c + 1], (_B, _B))

        def inner(j, cnt):
            jb = j * _B
            iou = iou_tile(jb)
            over = (iou > _THRESH).astype(jnp.float32)
            kj = keep_ref[0:1, pl.ds(jb, _B)]
            return cnt + jax.lax.dot_general(
                kj, over, (((1,), (1,)), ((), ())),
                preferred_element_type=jnp.float32)

        cnt = jax.lax.fori_loop(0, i, inner, jnp.zeros((1, _B), jnp.float32))
        init = (cnt < 0.5).astype(jnp.float32)

        iou_ii = iou_tile(base)
        riota = jax.lax.broadcasted_iota(jnp.int32, (_B, _B), 0)
        ciota = jax.lax.broadcasted_iota(jnp.int32, (_B, _B), 1)
        m_ref[:, :] = jnp.where((iou_ii > _THRESH) & (ciota < riota), 1.0, 0.0)

        def w_cond(st):
            t, _, changed = st
            return changed & (t < _B)

        def w_body(st):
            t, k, _ = st
            cnt2 = jax.lax.dot_general(
                k, m_ref[:, :], (((1,), (1,)), ((), ())),
                preferred_element_type=jnp.float32)
            k2 = jnp.where(cnt2 < 0.5, init, 0.0)
            return t + 1, k2, jnp.any(k2 != k)

        _, k_fin, _ = jax.lax.while_loop(
            w_cond, w_body, (jnp.int32(0), init, True))
        keep_ref[0:1, pl.ds(base, _B)] = k_fin
        return carry

    jax.lax.fori_loop(0, nb, outer, jnp.int32(0))

    keep = keep_ref[0:1, :]
    s = bt_ref[5:6, :]
    s_adj = jnp.where(s >= 1.0, s - 1.0, s)
    out_ref[0:1, :] = s_adj * keep
    out_ref[1:2, :] = bt_ref[0:1, :] * keep
    out_ref[2:3, :] = bt_ref[1:2, :] * keep
    out_ref[3:4, :] = bt_ref[2:3, :] * keep
    out_ref[4:5, :] = bt_ref[3:4, :] * keep
    out_ref[5:8, :] = jnp.zeros((3, npad), jnp.float32)


def kernel(boxes, scores):
    n = scores.shape[0]
    order = jnp.argsort(-scores).astype(jnp.int32)
    npad = ((n + _B - 1) // _B) * _B
    orderp = jnp.concatenate(
        [order, jnp.full((npad - n,), n, jnp.int32)])
    bflat = jnp.concatenate(
        [boxes.reshape(-1), jnp.zeros((32,), jnp.float32)])
    sflat = jnp.concatenate([scores, jnp.zeros((8,), jnp.float32)])
    bt = _sc_sorted_gather(bflat, sflat, orderp, npad).reshape(8, npad)
    btc = bt.T

    out = pl.pallas_call(
        _nms_kernel,
        out_shape=jax.ShapeDtypeStruct((8, npad), jnp.float32),
        scratch_shapes=[
            pltpu.VMEM((8, npad), jnp.float32),
            pltpu.VMEM((_B, _B), jnp.float32),
            pltpu.VMEM((5, _B, _B), jnp.float32),
        ],
    )(bt, btc)
    return out[:5, :n].T

# --- scband reference (transcript-rebuilt; emitter-appended) ---
"""Pipeline reference for scband-track-solver-11742440588012 (READ-ONLY COPY).

The authoritative reference and input builder live on the scoring server;
editing this copy changes nothing except your own understanding.
"""

import jax, jax.numpy as jnp
import numpy as np

N = 5000
NMS_THRESH = 0.5

def setup_inputs(seed: int = 0) -> dict:
    key = jax.random.key(seed)
    k1, k2, k3 = jax.random.split(key, 3)
    # Valid xyxy boxes: top-left corner + positive width/height
    xy = jax.random.uniform(k1, (N, 2), dtype=jnp.float32) * 960.0
    wh = jax.random.uniform(k2, (N, 2), dtype=jnp.float32) * 120.0 + 4.0
    boxes = jnp.concatenate([xy, xy + wh], axis=1)
    scores = jax.random.uniform(k3, (N,), dtype=jnp.float32)
    return {"boxes": boxes, "scores": scores}

def _iou_matrix(b):
    x1, y1, x2, y2 = b[:, 0], b[:, 1], b[:, 2], b[:, 3]
    area = (x2 - x1) * (y2 - y1)
    xx1 = jnp.maximum(x1[:, None], x1[None, :])
    yy1 = jnp.maximum(y1[:, None], y1[None, :])
    xx2 = jnp.minimum(x2[:, None], x2[None, :])
    yy2 = jnp.minimum(y2[:, None], y2[None, :])
    iw = jnp.clip(xx2 - xx1, 0.0)
    ih = jnp.clip(yy2 - yy1, 0.0)
    inter = iw * ih
    union = area[:, None] + area[None, :] - inter
    return inter / (union + 1e-9)

def reference(boxes, scores):
    # Core of TrackSolver._nms_non_dormant_detections: greedy NMS over
    # score-sorted boxes (boxlist_nms_idxs_only / _box_nms), followed by the
    # scores >= 1.0 -> scores - 1.0 adjustment from forward().
    n = scores.shape[0]
    order = jnp.argsort(-scores)
    b = boxes[order]
    s = scores[order]
    iou = _iou_matrix(b)
    idx = jnp.arange(n)

    def body(i, keep):
        suppress = (iou[i] > NMS_THRESH) & (idx > i) & keep[i]
        return keep & (~suppress)

    keep = jax.lax.fori_loop(0, n, body, jnp.ones((n,), dtype=bool))
    keep_f = keep.astype(s.dtype)
    s_adj = jnp.where(s >= 1.0, s - 1.0, s)
    s_out = s_adj * keep_f
    b_out = b * keep_f[:, None]
    out = jnp.concatenate([s_out[:, None], b_out], axis=1)  # [N, 5]
    return out

if __name__ == "__main__":
    import jax
    _d = setup_inputs()
    print(jax.jit(kernel)(*tuple(_d.values())))

</pallas_src>

<mosaic_0001>
#map = affine_map<(d0, d1) -> (0)>
module attributes {stable_mosaic.version = 14 : i64} {
  func.func @_gather_body(%arg0: i32, %arg1: i32, %arg2: memref<20032xf32, #tpu.memory_space<hbm>>, %arg3: memref<5008xf32, #tpu.memory_space<hbm>>, %arg4: memref<5120xi32, #tpu.memory_space<hbm>>, %arg5: memref<40960xf32, #tpu.memory_space<hbm>>, %arg6: memref<20032xf32, #tpu.memory_space<vmem>>, %arg7: memref<5008xf32, #tpu.memory_space<vmem>>, %arg8: memref<160xi32, #tpu.memory_space<vmem>>, %arg9: memref<160xf32, #tpu.memory_space<vmem>>, %arg10: memref<160xf32, #tpu.memory_space<vmem>>, %arg11: memref<160xf32, #tpu.memory_space<vmem>>, %arg12: memref<160xf32, #tpu.memory_space<vmem>>, %arg13: memref<160xf32, #tpu.memory_space<vmem>>, %arg14: memref<160xf32, #tpu.memory_space<vmem>>) attributes {dimension_semantics = [#tpu.dimension_semantics<core_parallel>, #tpu.dimension_semantics<subcore_parallel>], iteration_bounds = array<i64: 2, 16>, scalar_prefetch = 0 : i64, scratch_operands = 9 : i64, tpu.core_type = #tpu.core_type<sc_vector_subcore>, window_params = [{transform_indices = #map}, {transform_indices = #map}, {transform_indices = #map}, {transform_indices = #map}]} {
    %mul3A = arith.constant 2 : i32
    %mul3A_0 = arith.muli %arg1, %mul3A : i32
    %add3A = arith.addi %mul3A_0, %arg0 : i32
    %mul3A_1 = arith.constant 160 : i32
    %mul3A_2 = arith.muli %add3A, %mul3A_1 : i32
    "tpu.region"() ({
      %run_scoped3A = tpu.sem_alloc : memref<!tpu.dma_semaphore, #tpu.memory_space<semaphore_mem>>
      tpu.enqueue_dma source(%arg2 : memref<20032xf32, #tpu.memory_space<hbm>>) target(%arg6 : memref<20032xf32, #tpu.memory_space<vmem>>) target_semaphore(%run_scoped3A : memref<!tpu.dma_semaphore, #tpu.memory_space<semaphore_mem>>)
      tpu.wait_dma2 semaphore(%run_scoped3A : memref<!tpu.dma_semaphore, #tpu.memory_space<semaphore_mem>>) src(%arg2 : memref<20032xf32, #tpu.memory_space<hbm>>) dst(%arg6 : memref<20032xf32, #tpu.memory_space<vmem>>)
      tpu.yield
    }) : () -> ()
    "tpu.region"() ({
      %run_scoped3A = tpu.sem_alloc : memref<!tpu.dma_semaphore, #tpu.memory_space<semaphore_mem>>
      tpu.enqueue_dma source(%arg3 : memref<5008xf32, #tpu.memory_space<hbm>>) target(%arg7 : memref<5008xf32, #tpu.memory_space<vmem>>) target_semaphore(%run_scoped3A : memref<!tpu.dma_semaphore, #tpu.memory_space<semaphore_mem>>)
      tpu.wait_dma2 semaphore(%run_scoped3A : memref<!tpu.dma_semaphore, #tpu.memory_space<semaphore_mem>>) src(%arg3 : memref<5008xf32, #tpu.memory_space<hbm>>) dst(%arg7 : memref<5008xf32, #tpu.memory_space<vmem>>)
      tpu.yield
    }) : () -> ()
    "tpu.region"() ({
      %run_scoped3A = tpu.sem_alloc : memref<!tpu.dma_semaphore, #tpu.memory_space<semaphore_mem>>
      %dma_start3A = tpu.memref_slice %arg4[%mul3A_2] : memref<5120xi32, #tpu.memory_space<hbm>> -> memref<160xi32, #tpu.memory_space<hbm>>
      %dma_start3A_351 = tpu.memref_slice %arg4[%mul3A_2] : memref<5120xi32, #tpu.memory_space<hbm>> -> memref<160xi32, #tpu.memory_space<hbm>>
      tpu.enqueue_dma source(%dma_start3A_351 : memref<160xi32, #tpu.memory_space<hbm>>) target(%arg8 : memref<160xi32, #tpu.memory_space<vmem>>) target_semaphore(%run_scoped3A : memref<!tpu.dma_semaphore, #tpu.memory_space<semaphore_mem>>)
      %dma_wait3A = tpu.memref_slice %arg4[%mul3A_2] : memref<5120xi32, #tpu.memory_space<hbm>> -> memref<160xi32, #tpu.memory_space<hbm>>
      %dma_wait3A_352 = tpu.memref_slice %arg4[%mul3A_2] : memref<5120xi32, #tpu.memory_space<hbm>> -> memref<160xi32, #tpu.memory_space<hbm>>
      tpu.wait_dma2 semaphore(%run_scoped3A : memref<!tpu.dma_semaphore, #tpu.memory_space<semaphore_mem>>) src(%dma_wait3A_352 : memref<160xi32, #tpu.memory_space<hbm>>) dst(%arg8 : memref<160xi32, #tpu.memory_space<vmem>>)
      tpu.yield
    }) : () -> ()
    %get3A = arith.constant 0 : index
    %get3A_3 = tpu.vector_load %arg8[%get3A] {strides = array<i32>} : memref<160xi32, #tpu.memory_space<vmem>>, vector<16xi32>,
    %mul3A_4 = arith.constant 4 : i32
    %mul3A_5 = vector.broadcast %mul3A_4 : i32 to vector<16xi32>
    %mul3A_6 = arith.muli %get3A_3, %mul3A_5 : vector<16xi32>
    %gather3A = tpu.vector_load_idx %arg6[%mul3A_6] : memref<20032xf32, #tpu.memory_space<vmem>>[vector<16xi32>], vector<16xf32>,
    %add3A_7 = arith.constant 1 : i32
    %add3A_8 = vector.broadcast %add3A_7 : i32 to vector<16xi32>
    %add3A_9 = arith.addi %mul3A_6, %add3A_8 : vector<16xi32>
    %gather3A_10 = tpu.vector_load_idx %arg6[%add3A_9] : memref<20032xf32, #tpu.memory_space<vmem>>[vector<16xi32>], vector<16xf32>,
    %add3A_11 = arith.constant 2 : i32
    %add3A_12 = vector.broadcast %add3A_11 : i32 to vector<16xi32>
    %add3A_13 = arith.addi %mul3A_6, %add3A_12 : vector<16xi32>
    %gather3A_14 = tpu.vector_load_idx %arg6[%add3A_13] : memref<20032xf32, #tpu.memory_space<vmem>>[vector<16xi32>], vector<16xf32>,
    %add3A_15 = arith.constant 3 : i32
    %add3A_16 = vector.broadcast %add3A_15 : i32 to vector<16xi32>
    %add3A_17 = arith.addi %mul3A_6, %add3A_16 : vector<16xi32>
    %gather3A_18 = tpu.vector_load_idx %arg6[%add3A_17] : memref<20032xf32, #tpu.memory_space<vmem>>[vector<16xi32>], vector<16xf32>,
    %swap3A = arith.constant 0 : index
    %swap3A_19 = tpu.vector_load %arg9[%swap3A] {strides = array<i32>} : memref<160xf32, #tpu.memory_space<vmem>>, vector<16xf32>,
    tpu.vector_store %arg9[%swap3A], %gather3A {strides = array<i32>} : memref<160xf32, #tpu.memory_space<vmem>>, vector<16xf32>,
    %swap3A_20 = arith.constant 0 : index
    %swap3A_21 = tpu.vector_load %arg10[%swap3A_20] {strides = array<i32>} : memref<160xf32, #tpu.memory_space<vmem>>, vector<16xf32>,
    tpu.vector_store %arg10[%swap3A_20], %gather3A_10 {strides = array<i32>} : memref<160xf32, #tpu.memory_space<vmem>>, vector<16xf32>,
    %swap3A_22 = arith.constant 0 : index
    %swap3A_23 = tpu.vector_load %arg11[%swap3A_22] {strides = array<i32>} : memref<160xf32, #tpu.memory_space<vmem>>, vector<16xf32>,
    tpu.vector_store %arg11[%swap3A_22], %gather3A_14 {strides = array<i32>} : memref<160xf32, #tpu.memory_space<vmem>>, vector<16xf32>,
    %swap3A_24 = arith.constant 0 : index
    %swap3A_25 = tpu.vector_load %arg12[%swap3A_24] {strides = array<i32>} : memref<160xf32, #tpu.memory_space<vmem>>, vector<16xf32>,
    tpu.vector_store %arg12[%swap3A_24], %gather3A_18 {strides = array<i32>} : memref<160xf32, #tpu.memory_space<vmem>>, vector<16xf32>,
    %sub3A = arith.subf %gather3A_14, %gather3A : vector<16xf32>
    %sub3A_26 = arith.subf %gather3A_18, %gather3A_10 : vector<16xf32>
    %mul3A_27 = arith.mulf %sub3A, %sub3A_26 : vector<16xf32>
    %swap3A_28 = arith.constant 0 : index
    %swap3A_29 = tpu.vector_load %arg13[%swap3A_28] {strides = array<i32>} : memref<160xf32, #tpu.memory_space<vmem>>, vector<16xf32>,
    tpu.vector_store %arg13[%swap3A_28], %mul3A_27 {strides = array<i32>} : memref<160xf32, #tpu.memory_space<vmem>>, vector<16xf32>,
    %gather3A_30 = tpu.vector_load_idx %arg7[%get3A_3] : memref<5008xf32, #tpu.memory_space<vmem>>[vector<16xi32>], vector<16xf32>,
    %swap3A_31 = arith.constant 0 : index
    %swap3A_32 = tpu.vector_load %arg14[%swap3A_31] {strides = array<i32>} : memref<160xf32, #tpu.memory_space<vmem>>, vector<16xf32>,
    tpu.vector_store %arg14[%swap3A_31], %gather3A_30 {strides = array<i32>} : memref<160xf32, #tpu.memory_space<vmem>>, vector<16xf32>,
    %get3A_33 = arith.constant 16 : index
    %get3A_34 = tpu.vector_load %arg8[%get3A_33] {strides = array<i32>} : memref<160xi32, #tpu.memory_space<vmem>>, vector<16xi32>,
    %mul3A_35 = arith.constant 4 : i32
    %mul3A_36 = vector.broadcast %mul3A_35 : i32 to vector<16xi32>
    %mul3A_37 = arith.muli %get3A_34, %mul3A_36 : vector<16xi32>
    %gather3A_38 = tpu.vector_load_idx %arg6[%mul3A_37] : memref<20032xf32, #tpu.memory_space<vmem>>[vector<16xi32>], vector<16xf32>,
    %add3A_39 = arith.constant 1 : i32
    %add3A_40 = vector.broadcast %add3A_39 : i32 to vector<16xi32>
    %add3A_41 = arith.addi %mul3A_37, %add3A_40 : vector<16xi32>
    %gather3A_42 = tpu.vector_load_idx %arg6[%add3A_41] : memref<20032xf32, #tpu.memory_space<vmem>>[vector<16xi32>], vector<16xf32>,
    %add3A_43 = arith.constant 2 : i32
    %add3A_44 = vector.broadcast %add3A_43 : i32 to vector<16xi32>
    %add3A_45 = arith.addi %mul3A_37, %add3A_44 : vector<16xi32>
    %gather3A_46 = tpu.vector_load_idx %arg6[%add3A_45] : memref<20032xf32, #tpu.memory_space<vmem>>[vector<16xi32>], vector<16xf32>,
    %add3A_47 = arith.constant 3 : i32
    %add3A_48 = vector.broadcast %add3A_47 : i32 to vector<16xi32>
    %add3A_49 = arith.addi %mul3A_37, %add3A_48 : vector<16xi32>
    %gather3A_50 = tpu.vector_load_idx %arg6[%add3A_49] : memref<20032xf32, #tpu.memory_space<vmem>>[vector<16xi32>], vector<16xf32>,
    %swap3A_51 = arith.constant 16 : index
    %swap3A_52 = tpu.vector_load %arg9[%swap3A_51] {strides = array<i32>} : memref<160xf32, #tpu.memory_space<vmem>>, vector<16xf32>,
    tpu.vector_store %arg9[%swap3A_51], %gather3A_38 {strides = array<i32>} : memref<160xf32, #tpu.memory_space<vmem>>, vector<16xf32>,
    %swap3A_53 = arith.constant 16 : index
    %swap3A_54 = tpu.vector_load %arg10[%swap3A_53] {strides = array<i32>} : memref<160xf32, #tpu.memory_space<vmem>>, vector<16xf32>,
    tpu.vector_store %arg10[%swap3A_53], %gather3A_42 {strides = array<i32>} : memref<160xf32, #tpu.memory_space<vmem>>, vector<16xf32>,
    %swap3A_55 = arith.constant 16 : index
    %swap3A_56 = tpu.vector_load %arg11[%swap3A_55] {strides = array<i32>} : memref<160xf32, #tpu.memory_space<vmem>>, vector<16xf32>,
    tpu.vector_store %arg11[%swap3A_55], %gather3A_46 {strides = array<i32>} : memref<160xf32, #tpu.memory_space<vmem>>, vector<16xf32>,
    %swap3A_57 = arith.constant 16 : index
    %swap3A_58 = tpu.vector_load %arg12[%swap3A_57] {strides = array<i32>} : memref<160xf32, #tpu.memory_space<vmem>>, vector<16xf32>,
    tpu.vector_store %arg12[%swap3A_57], %gather3A_50 {strides = array<i32>} : memref<160xf32, #tpu.memory_space<vmem>>, vector<16xf32>,
    %sub3A_59 = arith.subf %gather3A_46, %gather3A_38 : vector<16xf32>
    %sub3A_60 = arith.subf %gather3A_50, %gather3A_42 : vector<16xf32>
    %mul3A_61 = arith.mulf %sub3A_59, %sub3A_60 : vector<16xf32>
    %swap3A_62 = arith.constant 16 : index
    %swap3A_63 = tpu.vector_load %arg13[%swap3A_62] {strides = array<i32>} : memref<160xf32, #tpu.memory_space<vmem>>, vector<16xf32>,
    tpu.vector_store %arg13[%swap3A_62], %mul3A_61 {strides = array<i32>} : memref<160xf32, #tpu.memory_space<vmem>>, vector<16xf32>,
    %gather3A_64 = tpu.vector_load_idx %arg7[%get3A_34] : memref<5008xf32, #tpu.memory_space<vmem>>[vector<16xi32>], vector<16xf32>,
    %swap3A_65 = arith.constant 16 : index
    %swap3A_66 = tpu.vector_load %arg14[%swap3A_65] {strides = array<i32>} : memref<160xf32, #tpu.memory_space<vmem>>, vector<16xf32>,
    tpu.vector_store %arg14[%swap3A_65], %gather3A_64 {strides = array<i32>} : memref<160xf32, #tpu.memory_space<vmem>>, vector<16xf32>,
    %get3A_67 = arith.constant 32 : index
    %get3A_68 = tpu.vector_load %arg8[%get3A_67] {strides = array<i32>} : memref<160xi32, #tpu.memory_space<vmem>>, vector<16xi32>,
    %mul3A_69 = arith.constant 4 : i32
    %mul3A_70 = vector.broadcast %mul3A_69 : i32 to vector<16xi32>
    %mul3A_71 = arith.muli %get3A_68, %mul3A_70 : vector<16xi32>
    %gather3A_72 = tpu.vector_load_idx %arg6[%mul3A_71] : memref<20032xf32, #tpu.memory_space<vmem>>[vector<16xi32>], vector<16xf32>,
    %add3A_73 = arith.constant 1 : i32
    %add3A_74 = vector.broadcast %add3A_73 : i32 to vector<16xi32>
    %add3A_75 = arith.addi %mul3A_71, %add3A_74 : vector<16xi32>
    %gather3A_76 = tpu.vector_load_idx %arg6[%add3A_75] : memref<20032xf32, #tpu.memory_space<vmem>>[vector<16xi32>], vector<16xf32>,
    %add3A_77 = arith.constant 2 : i32
    %add3A_78 = vector.broadcast %add3A_77 : i32 to vector<16xi32>
    %add3A_79 = arith.addi %mul3A_71, %add3A_78 : vector<16xi32>
    %gather3A_80 = tpu.vector_load_idx %arg6[%add3A_79] : memref<20032xf32, #tpu.memory_space<vmem>>[vector<16xi32>], vector<16xf32>,
    %add3A_81 = arith.constant 3 : i32
    %add3A_82 = vector.broadcast %add3A_81 : i32 to vector<16xi32>
    %add3A_83 = arith.addi %mul3A_71, %add3A_82 : vector<16xi32>
    %gather3A_84 = tpu.vector_load_idx %arg6[%add3A_83] : memref<20032xf32, #tpu.memory_space<vmem>>[vector<16xi32>], vector<16xf32>,
    %swap3A_85 = arith.constant 32 : index
    %swap3A_86 = tpu.vector_load %arg9[%swap3A_85] {strides = array<i32>} : memref<160xf32, #tpu.memory_space<vmem>>, vector<16xf32>,
    tpu.vector_store %arg9[%swap3A_85], %gather3A_72 {strides = array<i32>} : memref<160xf32, #tpu.memory_space<vmem>>, vector<16xf32>,
    %swap3A_87 = arith.constant 32 : index
    %swap3A_88 = tpu.vector_load %arg10[%swap3A_87] {strides = array<i32>} : memref<160xf32, #tpu.memory_space<vmem>>, vector<16xf32>,
    tpu.vector_store %arg10[%swap3A_87], %gather3A_76 {strides = array<i32>} : memref<160xf32, #tpu.memory_space<vmem>>, vector<16xf32>,
    %swap3A_89 = arith.constant 32 : index
    %swap3A_90 = tpu.vector_load %arg11[%swap3A_89] {strides = array<i32>} : memref<160xf32, #tpu.memory_space<vmem>>, vector<16xf32>,
    tpu.vector_store %arg11[%swap3A_89], %gather3A_80 {strides = array<i32>} : memref<160xf32, #tpu.memory_space<vmem>>, vector<16xf32>,
    %swap3A_91 = arith.constant 32 : index
    %swap3A_92 = tpu.vector_load %arg12[%swap3A_91] {strides = array<i32>} : memref<160xf32, #tpu.memory_space<vmem>>, vector<16xf32>,
    tpu.vector_store %arg12[%swap3A_91], %gather3A_84 {strides = array<i32>} : memref<160xf32, #tpu.memory_space<vmem>>, vector<16xf32>,
    %sub3A_93 = arith.subf %gather3A_80, %gather3A_72 : vector<16xf32>
    %sub3A_94 = arith.subf %gather3A_84, %gather3A_76 : vector<16xf32>
    %mul3A_95 = arith.mulf %sub3A_93, %sub3A_94 : vector<16xf32>
    %swap3A_96 = arith.constant 32 : index
    %swap3A_97 = tpu.vector_load %arg13[%swap3A_96] {strides = array<i32>} : memref<160xf32, #tpu.memory_space<vmem>>, vector<16xf32>,
    tpu.vector_store %arg13[%swap3A_96], %mul3A_95 {strides = array<i32>} : memref<160xf32, #tpu.memory_space<vmem>>, vector<16xf32>,
    %gather3A_98 = tpu.vector_load_idx %arg7[%get3A_68] : memref<5008xf32, #tpu.memory_space<vmem>>[vector<16xi32>], vector<16xf32>,
    %swap3A_99 = arith.constant 32 : index
    %swap3A_100 = tpu.vector_load %arg14[%swap3A_99] {strides = array<i32>} : memref<160xf32, #tpu.memory_space<vmem>>, vector<16xf32>,
    tpu.vector_store %arg14[%swap3A_99], %gather3A_98 {strides = array<i32>} : memref<160xf32, #tpu.memory_space<vmem>>, vector<16xf32>,
    %get3A_101 = arith.constant 48 : index
    %get3A_102 = tpu.vector_load %arg8[%get3A_101] {strides = array<i32>} : memref<160xi32, #tpu.memory_space<vmem>>, vector<16xi32>,
    %mul3A_103 = arith.constant 4 : i32
    %mul3A_104 = vector.broadcast %mul3A_103 : i32 to vector<16xi32>
    %mul3A_105 = arith.muli %get3A_102, %mul3A_104 : vector<16xi32>
    %gather3A_106 = tpu.vector_load_idx %arg6[%mul3A_105] : memref<20032xf32, #tpu.memory_space<vmem>>[vector<16xi32>], vector<16xf32>,
    %add3A_107 = arith.constant 1 : i32
    %add3A_108 = vector.broadcast %add3A_107 : i32 to vector<16xi32>
    %add3A_109 = arith.addi %mul3A_105, %add3A_108 : vector<16xi32>
    %gather3A_110 = tpu.vector_load_idx %arg6[%add3A_109] : memref<20032xf32, #tpu.memory_space<vmem>>[vector<16xi32>], vector<16xf32>,
    %add3A_111 = arith.constant 2 : i32
    %add3A_112 = vector.broadcast %add3A_111 : i32 to vector<16xi32>
    %add3A_113 = arith.addi %mul3A_105, %add3A_112 : vector<16xi32>
    %gather3A_114 = tpu.vector_load_idx %arg6[%add3A_113] : memref<20032xf32, #tpu.memory_space<vmem>>[vector<16xi32>], vector<16xf32>,
    %add3A_115 = arith.constant 3 : i32
    %add3A_116 = vector.broadcast %add3A_115 : i32 to vector<16xi32>
    %add3A_117 = arith.addi %mul3A_105, %add3A_116 : vector<16xi32>
    %gather3A_118 = tpu.vector_load_idx %arg6[%add3A_117] : memref<20032xf32, #tpu.memory_space<vmem>>[vector<16xi32>], vector<16xf32>,
    %swap3A_119 = arith.constant 48 : index
    %swap3A_120 = tpu.vector_load %arg9[%swap3A_119] {strides = array<i32>} : memref<160xf32, #tpu.memory_space<vmem>>, vector<16xf32>,
    tpu.vector_store %arg9[%swap3A_119], %gather3A_106 {strides = array<i32>} : memref<160xf32, #tpu.memory_space<vmem>>, vector<16xf32>,
    %swap3A_121 = arith.constant 48 : index
    %swap3A_122 = tpu.vector_load %arg10[%swap3A_121] {strides = array<i32>} : memref<160xf32, #tpu.memory_space<vmem>>, vector<16xf32>,
    tpu.vector_store %arg10[%swap3A_121], %gather3A_110 {strides = array<i32>} : memref<160xf32, #tpu.memory_space<vmem>>, vector<16xf32>,
    %swap3A_123 = arith.constant 48 : index
    %swap3A_124 = tpu.vector_load %arg11[%swap3A_123] {strides = array<i32>} : memref<160xf32, #tpu.memory_space<vmem>>, vector<16xf32>,
    tpu.vector_store %arg11[%swap3A_123], %gather3A_114 {strides = array<i32>} : memref<160xf32, #tpu.memory_space<vmem>>, vector<16xf32>,
    %swap3A_125 = arith.constant 48 : index
    %swap3A_126 = tpu.vector_load %arg12[%swap3A_125] {strides = array<i32>} : memref<160xf32, #tpu.memory_space<vmem>>, vector<16xf32>,
    tpu.vector_store %arg12[%swap3A_125], %gather3A_118 {strides = array<i32>} : memref<160xf32, #tpu.memory_space<vmem>>, vector<16xf32>,
    %sub3A_127 = arith.subf %gather3A_114, %gather3A_106 : vector<16xf32>
    %sub3A_128 = arith.subf %gather3A_118, %gather3A_110 : vector<16xf32>
    %mul3A_129 = arith.mulf %sub3A_127, %sub3A_128 : vector<16xf32>
    %swap3A_130 = arith.constant 48 : index
    %swap3A_131 = tpu.vector_load %arg13[%swap3A_130] {strides = array<i32>} : memref<160xf32, #tpu.memory_space<vmem>>, vector<16xf32>,
    tpu.vector_store %arg13[%swap3A_130], %mul3A_129 {strides = array<i32>} : memref<160xf32, #tpu.memory_space<vmem>>, vector<16xf32>,
    %gather3A_132 = tpu.vector_load_idx %arg7[%get3A_102] : memref<5008xf32, #tpu.memory_space<vmem>>[vector<16xi32>], vector<16xf32>,
    %swap3A_133 = arith.constant 48 : index
    %swap3A_134 = tpu.vector_load %arg14[%swap3A_133] {strides = array<i32>} : memref<160xf32, #tpu.memory_space<vmem>>, vector<16xf32>,
    tpu.vector_store %arg14[%swap3A_133], %gather3A_132 {strides = array<i32>} : memref<160xf32, #tpu.memory_space<vmem>>, vector<16xf32>,
    %get3A_135 = arith.constant 64 : index
    %get3A_136 = tpu.vector_load %arg8[%get3A_135] {strides = array<i32>} : memref<160xi32, #tpu.memory_space<vmem>>, vector<16xi32>,
    %mul3A_137 = arith.constant 4 : i32
    %mul3A_138 = vector.broadcast %mul3A_137 : i32 to vector<16xi32>
    %mul3A_139 = arith.muli %get3A_136, %mul3A_138 : vector<16xi32>
    %gather3A_140 = tpu.vector_load_idx %arg6[%mul3A_139] : memref<20032xf32, #tpu.memory_space<vmem>>[vector<16xi32>], vector<16xf32>,
    %add3A_141 = arith.constant 1 : i32
    %add3A_142 = vector.broadcast %add3A_141 : i32 to vector<16xi32>
    %add3A_143 = arith.addi %mul3A_139, %add3A_142 : vector<16xi32>
    %gather3A_144 = tpu.vector_load_idx %arg6[%add3A_143] : memref<20032xf32, #tpu.memory_space<vmem>>[vector<16xi32>], vector<16xf32>,
    %add3A_145 = arith.constant 2 : i32
    %add3A_146 = vector.broadcast %add3A_145 : i32 to vector<16xi32>
    %add3A_147 = arith.addi %mul3A_139, %add3A_146 : vector<16xi32>
    %gather3A_148 = tpu.vector_load_idx %arg6[%add3A_147] : memref<20032xf32, #tpu.memory_space<vmem>>[vector<16xi32>], vector<16xf32>,
    %add3A_149 = arith.constant 3 : i32
    %add3A_150 = vector.broadcast %add3A_149 : i32 to vector<16xi32>
    %add3A_151 = arith.addi %mul3A_139, %add3A_150 : vector<16xi32>
    %gather3A_152 = tpu.vector_load_idx %arg6[%add3A_151] : memref<20032xf32, #tpu.memory_space<vmem>>[vector<16xi32>], vector<16xf32>,
    %swap3A_153 = arith.constant 64 : index
    %swap3A_154 = tpu.vector_load %arg9[%swap3A_153] {strides = array<i32>} : memref<160xf32, #tpu.memory_space<vmem>>, vector<16xf32>,
    tpu.vector_store %arg9[%swap3A_153], %gather3A_140 {strides = array<i32>} : memref<160xf32, #tpu.memory_space<vmem>>, vector<16xf32>,
    %swap3A_155 = arith.constant 64 : index
    %swap3A_156 = tpu.vector_load %arg10[%swap3A_155] {strides = array<i32>} : memref<160xf32, #tpu.memory_space<vmem>>, vector<16xf32>,
    tpu.vector_store %arg10[%swap3A_155], %gather3A_144 {strides = array<i32>} : memref<160xf32, #tpu.memory_space<vmem>>, vector<16xf32>,
    %swap3A_157 = arith.constant 64 : index
    %swap3A_158 = tpu.vector_load %arg11[%swap3A_157] {strides = array<i32>} : memref<160xf32, #tpu.memory_space<vmem>>, vector<16xf32>,
    tpu.vector_store %arg11[%swap3A_157], %gather3A_148 {strides = array<i32>} : memref<160xf32, #tpu.memory_space<vmem>>, vector<16xf32>,
    %swap3A_159 = arith.constant 64 : index
    %swap3A_160 = tpu.vector_load %arg12[%swap3A_159] {strides = array<i32>} : memref<160xf32, #tpu.memory_space<vmem>>, vector<16xf32>,
    tpu.vector_store %arg12[%swap3A_159], %gather3A_152 {strides = array<i32>} : memref<160xf32, #tpu.memory_space<vmem>>, vector<16xf32>,
    %sub3A_161 = arith.subf %gather3A_148, %gather3A_140 : vector<16xf32>
    %sub3A_162 = arith.subf %gather3A_152, %gather3A_144 : vector<16xf32>
    %mul3A_163 = arith.mulf %sub3A_161, %sub3A_162 : vector<16xf32>
    %swap3A_164 = arith.constant 64 : index
    %swap3A_165 = tpu.vector_load %arg13[%swap3A_164] {strides = array<i32>} : memref<160xf32, #tpu.memory_space<vmem>>, vector<16xf32>,
    tpu.vector_store %arg13[%swap3A_164], %mul3A_163 {strides = array<i32>} : memref<160xf32, #tpu.memory_space<vmem>>, vector<16xf32>,
    %gather3A_166 = tpu.vector_load_idx %arg7[%get3A_136] : memref<5008xf32, #tpu.memory_space<vmem>>[vector<16xi32>], vector<16xf32>,
    %swap3A_167 = arith.constant 64 : index
    %swap3A_168 = tpu.vector_load %arg14[%swap3A_167] {strides = array<i32>} : memref<160xf32, #tpu.memory_space<vmem>>, vector<16xf32>,
    tpu.vector_store %arg14[%swap3A_167], %gather3A_166 {strides = array<i32>} : memref<160xf32, #tpu.memory_space<vmem>>, vector<16xf32>,
    %get3A_169 = arith.constant 80 : index
    %get3A_170 = tpu.vector_load %arg8[%get3A_169] {strides = array<i32>} : memref<160xi32, #tpu.memory_space<vmem>>, vector<16xi32>,
    %mul3A_171 = arith.constant 4 : i32
    %mul3A_172 = vector.broadcast %mul3A_171 : i32 to vector<16xi32>
    %mul3A_173 = arith.muli %get3A_170, %mul3A_172 : vector<16xi32>
    %gather3A_174 = tpu.vector_load_idx %arg6[%mul3A_173] : memref<20032xf32, #tpu.memory_space<vmem>>[vector<16xi32>], vector<16xf32>,
    %add3A_175 = arith.constant 1 : i32
    %add3A_176 = vector.broadcast %add3A_175 : i32 to vector<16xi32>
    %add3A_177 = arith.addi %mul3A_173, %add3A_176 : vector<16xi32>
    %gather3A_178 = tpu.vector_load_idx %arg6[%add3A_177] : memref<20032xf32, #tpu.memory_space<vmem>>[vector<16xi32>], vector<16xf32>,
    %add3A_179 = arith.constant 2 : i32
    %add3A_180 = vector.broadcast %add3A_179 : i32 to vector<16xi32>
    %add3A_181 = arith.addi %mul3A_173, %add3A_180 : vector<16xi32>
    %gather3A_182 = tpu.vector_load_idx %arg6[%add3A_181] : memref<20032xf32, #tpu.memory_space<vmem>>[vector<16xi32>], vector<16xf32>,
    %add3A_183 = arith.constant 3 : i32
    %add3A_184 = vector.broadcast %add3A_183 : i32 to vector<16xi32>
    %add3A_185 = arith.addi %mul3A_173, %add3A_184 : vector<16xi32>
    %gather3A_186 = tpu.vector_load_idx %arg6[%add3A_185] : memref<20032xf32, #tpu.memory_space<vmem>>[vector<16xi32>], vector<16xf32>,
    %swap3A_187 = arith.constant 80 : index
    %swap3A_188 = tpu.vector_load %arg9[%swap3A_187] {strides = array<i32>} : memref<160xf32, #tpu.memory_space<vmem>>, vector<16xf32>,
    tpu.vector_store %arg9[%swap3A_187], %gather3A_174 {strides = array<i32>} : memref<160xf32, #tpu.memory_space<vmem>>, vector<16xf32>,
    %swap3A_189 = arith.constant 80 : index
    %swap3A_190 = tpu.vector_load %arg10[%swap3A_189] {strides = array<i32>} : memref<160xf32, #tpu.memory_space<vmem>>, vector<16xf32>,
    tpu.vector_store %arg10[%swap3A_189], %gather3A_178 {strides = array<i32>} : memref<160xf32, #tpu.memory_space<vmem>>, vector<16xf32>,
    %swap3A_191 = arith.constant 80 : index
    %swap3A_192 = tpu.vector_load %arg11[%swap3A_191] {strides = array<i32>} : memref<160xf32, #tpu.memory_space<vmem>>, vector<16xf32>,
    tpu.vector_store %arg11[%swap3A_191], %gather3A_182 {strides = array<i32>} : memref<160xf32, #tpu.memory_space<vmem>>, vector<16xf32>,
    %swap3A_193 = arith.constant 80 : index
    %swap3A_194 = tpu.vector_load %arg12[%swap3A_193] {strides = array<i32>} : memref<160xf32, #tpu.memory_space<vmem>>, vector<16xf32>,
    tpu.vector_store %arg12[%swap3A_193], %gather3A_186 {strides = array<i32>} : memref<160xf32, #tpu.memory_space<vmem>>, vector<16xf32>,
    %sub3A_195 = arith.subf %gather3A_182, %gather3A_174 : vector<16xf32>
    %sub3A_196 = arith.subf %gather3A_186, %gather3A_178 : vector<16xf32>
    %mul3A_197 = arith.mulf %sub3A_195, %sub3A_196 : vector<16xf32>
    %swap3A_198 = arith.constant 80 : index
    %swap3A_199 = tpu.vector_load %arg13[%swap3A_198] {strides = array<i32>} : memref<160xf32, #tpu.memory_space<vmem>>, vector<16xf32>,
    tpu.vector_store %arg13[%swap3A_198], %mul3A_197 {strides = array<i32>} : memref<160xf32, #tpu.memory_space<vmem>>, vector<16xf32>,
    %gather3A_200 = tpu.vector_load_idx %arg7[%get3A_170] : memref<5008xf32, #tpu.memory_space<vmem>>[vector<16xi32>], vector<16xf32>,
    %swap3A_201 = arith.constant 80 : index
    %swap3A_202 = tpu.vector_load %arg14[%swap3A_201] {strides = array<i32>} : memref<160xf32, #tpu.memory_space<vmem>>, vector<16xf32>,
    tpu.vector_store %arg14[%swap3A_201], %gather3A_200 {strides = array<i32>} : memref<160xf32, #tpu.memory_space<vmem>>, vector<16xf32>,
    %get3A_203 = arith.constant 96 : index
    %get3A_204 = tpu.vector_load %arg8[%get3A_203] {strides = array<i32>} : memref<160xi32, #tpu.memory_space<vmem>>, vector<16xi32>,
    %mul3A_205 = arith.constant 4 : i32
    %mul3A_206 = vector.broadcast %mul3A_205 : i32 to vector<16xi32>
    %mul3A_207 = arith.muli %get3A_204, %mul3A_206 : vector<16xi32>
    %gather3A_208 = tpu.vector_load_idx %arg6[%mul3A_207] : memref<20032xf32, #tpu.memory_space<vmem>>[vector<16xi32>], vector<16xf32>,
    %add3A_209 = arith.constant 1 : i32
    %add3A_210 = vector.broadcast %add3A_209 : i32 to vector<16xi32>
    %add3A_211 = arith.addi %mul3A_207, %add3A_210 : vector<16xi32>
    %gather3A_212 = tpu.vector_load_idx %arg6[%add3A_211] : memref<20032xf32, #tpu.memory_space<vmem>>[vector<16xi32>], vector<16xf32>,
    %add3A_213 = arith.constant 2 : i32
    %add3A_214 = vector.broadcast %add3A_213 : i32 to vector<16xi32>
    %add3A_215 = arith.addi %mul3A_207, %add3A_214 : vector<16xi32>
    %gather3A_216 = tpu.vector_load_idx %arg6[%add3A_215] : memref<20032xf32, #tpu.memory_space<vmem>>[vector<16xi32>], vector<16xf32>,
    %add3A_217 = arith.constant 3 : i32
    %add3A_218 = vector.broadcast %add3A_217 : i32 to vector<16xi32>
    %add3A_219 = arith.addi %mul3A_207, %add3A_218 : vector<16xi32>
    %gather3A_220 = tpu.vector_load_idx %arg6[%add3A_219] : memref<20032xf32, #tpu.memory_space<vmem>>[vector<16xi32>], vector<16xf32>,
    %swap3A_221 = arith.constant 96 : index
    %swap3A_222 = tpu.vector_load %arg9[%swap3A_221] {strides = array<i32>} : memref<160xf32, #tpu.memory_space<vmem>>, vector<16xf32>,
    tpu.vector_store %arg9[%swap3A_221], %gather3A_208 {strides = array<i32>} : memref<160xf32, #tpu.memory_space<vmem>>, vector<16xf32>,
    %swap3A_223 = arith.constant 96 : index
    %swap3A_224 = tpu.vector_load %arg10[%swap3A_223] {strides = array<i32>} : memref<160xf32, #tpu.memory_space<vmem>>, vector<16xf32>,
    tpu.vector_store %arg10[%swap3A_223], %gather3A_212 {strides = array<i32>} : memref<160xf32, #tpu.memory_space<vmem>>, vector<16xf32>,
    %swap3A_225 = arith.constant 96 : index
    %swap3A_226 = tpu.vector_load %arg11[%swap3A_225] {strides = array<i32>} : memref<160xf32, #tpu.memory_space<vmem>>, vector<16xf32>,
    tpu.vector_store %arg11[%swap3A_225], %gather3A_216 {strides = array<i32>} : memref<160xf32, #tpu.memory_space<vmem>>, vector<16xf32>,
    %swap3A_227 = arith.constant 96 : index
    %swap3A_228 = tpu.vector_load %arg12[%swap3A_227] {strides = array<i32>} : memref<160xf32, #tpu.memory_space<vmem>>, vector<16xf32>,
    tpu.vector_store %arg12[%swap3A_227], %gather3A_220 {strides = array<i32>} : memref<160xf32, #tpu.memory_space<vmem>>, vector<16xf32>,
    %sub3A_229 = arith.subf %gather3A_216, %gather3A_208 : vector<16xf32>
    %sub3A_230 = arith.subf %gather3A_220, %gather3A_212 : vector<16xf32>
    %mul3A_231 = arith.mulf %sub3A_229, %sub3A_230 : vector<16xf32>
    %swap3A_232 = arith.constant 96 : index
    %swap3A_233 = tpu.vector_load %arg13[%swap3A_232] {strides = array<i32>} : memref<160xf32, #tpu.memory_space<vmem>>, vector<16xf32>,
    tpu.vector_store %arg13[%swap3A_232], %mul3A_231 {strides = array<i32>} : memref<160xf32, #tpu.memory_space<vmem>>, vector<16xf32>,
    %gather3A_234 = tpu.vector_load_idx %arg7[%get3A_204] : memref<5008xf32, #tpu.memory_space<vmem>>[vector<16xi32>], vector<16xf32>,
    %swap3A_235 = arith.constant 96 : index
    %swap3A_236 = tpu.vector_load %arg14[%swap3A_235] {strides = array<i32>} : memref<160xf32, #tpu.memory_space<vmem>>, vector<16xf32>,
    tpu.vector_store %arg14[%swap3A_235], %gather3A_234 {strides = array<i32>} : memref<160xf32, #tpu.memory_space<vmem>>, vector<16xf32>,
    %get3A_237 = arith.constant 112 : index
    %get3A_238 = tpu.vector_load %arg8[%get3A_237] {strides = array<i32>} : memref<160xi32, #tpu.memory_space<vmem>>, vector<16xi32>,
    %mul3A_239 = arith.constant 4 : i32
    %mul3A_240 = vector.broadcast %mul3A_239 : i32 to vector<16xi32>
    %mul3A_241 = arith.muli %get3A_238, %mul3A_240 : vector<16xi32>
    %gather3A_242 = tpu.vector_load_idx %arg6[%mul3A_241] : memref<20032xf32, #tpu.memory_space<vmem>>[vector<16xi32>], vector<16xf32>,
    %add3A_243 = arith.constant 1 : i32
    %add3A_244 = vector.broadcast %add3A_243 : i32 to vector<16xi32>
    %add3A_245 = arith.addi %mul3A_241, %add3A_244 : vector<16xi32>
    %gather3A_246 = tpu.vector_load_idx %arg6[%add3A_245] : memref<20032xf32, #tpu.memory_space<vmem>>[vector<16xi32>], vector<16xf32>,
    %add3A_247 = arith.constant 2 : i32
    %add3A_248 = vector.broadcast %add3A_247 : i32 to vector<16xi32>
    %add3A_249 = arith.addi %mul3A_241, %add3A_248 : vector<16xi32>
    %gather3A_250 = tpu.vector_load_idx %arg6[%add3A_249] : memref<20032xf32, #tpu.memory_space<vmem>>[vector<16xi32>], vector<16xf32>,
    %add3A_251 = arith.constant 3 : i32
    %add3A_252 = vector.broadcast %add3A_251 : i32 to vector<16xi32>
    %add3A_253 = arith.addi %mul3A_241, %add3A_252 : vector<16xi32>
    %gather3A_254 = tpu.vector_load_idx %arg6[%add3A_253] : memref<20032xf32, #tpu.memory_space<vmem>>[vector<16xi32>], vector<16xf32>,
    %swap3A_255 = arith.constant 112 : index
    %swap3A_256 = tpu.vector_load %arg9[%swap3A_255] {strides = array<i32>} : memref<160xf32, #tpu.memory_space<vmem>>, vector<16xf32>,
    tpu.vector_store %arg9[%swap3A_255], %gather3A_242 {strides = array<i32>} : memref<160xf32, #tpu.memory_space<vmem>>, vector<16xf32>,
    %swap3A_257 = arith.constant 112 : index
    %swap3A_258 = tpu.vector_load %arg10[%swap3A_257] {strides = array<i32>} : memref<160xf32, #tpu.memory_space<vmem>>, vector<16xf32>,
    tpu.vector_store %arg10[%swap3A_257], %gather3A_246 {strides = array<i32>} : memref<160xf32, #tpu.memory_space<vmem>>, vector<16xf32>,
    %swap3A_259 = arith.constant 112 : index
    %swap3A_260 = tpu.vector_load %arg11[%swap3A_259] {strides = array<i32>} : memref<160xf32, #tpu.memory_space<vmem>>, vector<16xf32>,
    tpu.vector_store %arg11[%swap3A_259], %gather3A_250 {strides = array<i32>} : memref<160xf32, #tpu.memory_space<vmem>>, vector<16xf32>,
    %swap3A_261 = arith.constant 112 : index
    %swap3A_262 = tpu.vector_load %arg12[%swap3A_261] {strides = array<i32>} : memref<160xf32, #tpu.memory_space<vmem>>, vector<16xf32>,
    tpu.vector_store %arg12[%swap3A_261], %gather3A_254 {strides = array<i32>} : memref<160xf32, #tpu.memory_space<vmem>>, vector<16xf32>,
    %sub3A_263 = arith.subf %gather3A_250, %gather3A_242 : vector<16xf32>
    %sub3A_264 = arith.subf %gather3A_254, %gather3A_246 : vector<16xf32>
    %mul3A_265 = arith.mulf %sub3A_263, %sub3A_264 : vector<16xf32>
    %swap3A_266 = arith.constant 112 : index
    %swap3A_267 = tpu.vector_load %arg13[%swap3A_266] {strides = array<i32>} : memref<160xf32, #tpu.memory_space<vmem>>, vector<16xf32>,
    tpu.vector_store %arg13[%swap3A_266], %mul3A_265 {strides = array<i32>} : memref<160xf32, #tpu.memory_space<vmem>>, vector<16xf32>,
    %gather3A_268 = tpu.vector_load_idx %arg7[%get3A_238] : memref<5008xf32, #tpu.memory_space<vmem>>[vector<16xi32>], vector<16xf32>,
    %swap3A_269 = arith.constant 112 : index
    %swap3A_270 = tpu.vector_load %arg14[%swap3A_269] {strides = array<i32>} : memref<160xf32, #tpu.memory_space<vmem>>, vector<16xf32>,
    tpu.vector_store %arg14[%swap3A_269], %gather3A_268 {strides = array<i32>} : memref<160xf32, #tpu.memory_space<vmem>>, vector<16xf32>,
    %get3A_271 = arith.constant 128 : index
    %get3A_272 = tpu.vector_load %arg8[%get3A_271] {strides = array<i32>} : memref<160xi32, #tpu.memory_space<vmem>>, vector<16xi32>,
    %mul3A_273 = arith.constant 4 : i32
    %mul3A_274 = vector.broadcast %mul3A_273 : i32 to vector<16xi32>
    %mul3A_275 = arith.muli %get3A_272, %mul3A_274 : vector<16xi32>
    %gather3A_276 = tpu.vector_load_idx %arg6[%mul3A_275] : memref<20032xf32, #tpu.memory_space<vmem>>[vector<16xi32>], vector<16xf32>,
    %add3A_277 = arith.constant 1 : i32
    %add3A_278 = vector.broadcast %add3A_277 : i32 to vector<16xi32>
    %add3A_279 = arith.addi %mul3A_275, %add3A_278 : vector<16xi32>
    %gather3A_280 = tpu.vector_load_idx %arg6[%add3A_279] : memref<20032xf32, #tpu.memory_space<vmem>>[vector<16xi32>], vector<16xf32>,
    %add3A_281 = arith.constant 2 : i32
    %add3A_282 = vector.broadcast %add3A_281 : i32 to vector<16xi32>
    %add3A_283 = arith.addi %mul3A_275, %add3A_282 : vector<16xi32>
    %gather3A_284 = tpu.vector_load_idx %arg6[%add3A_283] : memref<20032xf32, #tpu.memory_space<vmem>>[vector<16xi32>], vector<16xf32>,
    %add3A_285 = arith.constant 3 : i32
    %add3A_286 = vector.broadcast %add3A_285 : i32 to vector<16xi32>
    %add3A_287 = arith.addi %mul3A_275, %add3A_286 : vector<16xi32>
    %gather3A_288 = tpu.vector_load_idx %arg6[%add3A_287] : memref<20032xf32, #tpu.memory_space<vmem>>[vector<16xi32>], vector<16xf32>,
    %swap3A_289 = arith.constant 128 : index
    %swap3A_290 = tpu.vector_load %arg9[%swap3A_289] {strides = array<i32>} : memref<160xf32, #tpu.memory_space<vmem>>, vector<16xf32>,
    tpu.vector_store %arg9[%swap3A_289], %gather3A_276 {strides = array<i32>} : memref<160xf32, #tpu.memory_space<vmem>>, vector<16xf32>,
    %swap3A_291 = arith.constant 128 : index
    %swap3A_292 = tpu.vector_load %arg10[%swap3A_291] {strides = array<i32>} : memref<160xf32, #tpu.memory_space<vmem>>, vector<16xf32>,
    tpu.vector_store %arg10[%swap3A_291], %gather3A_280 {strides = array<i32>} : memref<160xf32, #tpu.memory_space<vmem>>, vector<16xf32>,
    %swap3A_293 = arith.constant 128 : index
    %swap3A_294 = tpu.vector_load %arg11[%swap3A_293] {strides = array<i32>} : memref<160xf32, #tpu.memory_space<vmem>>, vector<16xf32>,
    tpu.vector_store %arg11[%swap3A_293], %gather3A_284 {strides = array<i32>} : memref<160xf32, #tpu.memory_space<vmem>>, vector<16xf32>,
    %swap3A_295 = arith.constant 128 : index
    %swap3A_296 = tpu.vector_load %arg12[%swap3A_295] {strides = array<i32>} : memref<160xf32, #tpu.memory_space<vmem>>, vector<16xf32>,
    tpu.vector_store %arg12[%swap3A_295], %gather3A_288 {strides = array<i32>} : memref<160xf32, #tpu.memory_space<vmem>>, vector<16xf32>,
    %sub3A_297 = arith.subf %gather3A_284, %gather3A_276 : vector<16xf32>
    %sub3A_298 = arith.subf %gather3A_288, %gather3A_280 : vector<16xf32>
    %mul3A_299 = arith.mulf %sub3A_297, %sub3A_298 : vector<16xf32>
    %swap3A_300 = arith.constant 128 : index
    %swap3A_301 = tpu.vector_load %arg13[%swap3A_300] {strides = array<i32>} : memref<160xf32, #tpu.memory_space<vmem>>, vector<16xf32>,
    tpu.vector_store %arg13[%swap3A_300], %mul3A_299 {strides = array<i32>} : memref<160xf32, #tpu.memory_space<vmem>>, vector<16xf32>,
    %gather3A_302 = tpu.vector_load_idx %arg7[%get3A_272] : memref<5008xf32, #tpu.memory_space<vmem>>[vector<16xi32>], vector<16xf32>,
    %swap3A_303 = arith.constant 128 : index
    %swap3A_304 = tpu.vector_load %arg14[%swap3A_303] {strides = array<i32>} : memref<160xf32, #tpu.memory_space<vmem>>, vector<16xf32>,
    tpu.vector_store %arg14[%swap3A_303], %gather3A_302 {strides = array<i32>} : memref<160xf32, #tpu.memory_space<vmem>>, vector<16xf32>,
    %get3A_305 = arith.constant 144 : index
    %get3A_306 = tpu.vector_load %arg8[%get3A_305] {strides = array<i32>} : memref<160xi32, #tpu.memory_space<vmem>>, vector<16xi32>,
    %mul3A_307 = arith.constant 4 : i32
    %mul3A_308 = vector.broadcast %mul3A_307 : i32 to vector<16xi32>
    %mul3A_309 = arith.muli %get3A_306, %mul3A_308 : vector<16xi32>
    %gather3A_310 = tpu.vector_load_idx %arg6[%mul3A_309] : memref<20032xf32, #tpu.memory_space<vmem>>[vector<16xi32>], vector<16xf32>,
    %add3A_311 = arith.constant 1 : i32
    %add3A_312 = vector.broadcast %add3A_311 : i32 to vector<16xi32>
    %add3A_313 = arith.addi %mul3A_309, %add3A_312 : vector<16xi32>
    %gather3A_314 = tpu.vector_load_idx %arg6[%add3A_313] : memref<20032xf32, #tpu.memory_space<vmem>>[vector<16xi32>], vector<16xf32>,
    %add3A_315 = arith.constant 2 : i32
    %add3A_316 = vector.broadcast %add3A_315 : i32 to vector<16xi32>
    %add3A_317 = arith.addi %mul3A_309, %add3A_316 : vector<16xi32>
    %gather3A_318 = tpu.vector_load_idx %arg6[%add3A_317] : memref<20032xf32, #tpu.memory_space<vmem>>[vector<16xi32>], vector<16xf32>,
    %add3A_319 = arith.constant 3 : i32
    %add3A_320 = vector.broadcast %add3A_319 : i32 to vector<16xi32>
    %add3A_321 = arith.addi %mul3A_309, %add3A_320 : vector<16xi32>
    %gather3A_322 = tpu.vector_load_idx %arg6[%add3A_321] : memref<20032xf32, #tpu.memory_space<vmem>>[vector<16xi32>], vector<16xf32>,
    %swap3A_323 = arith.constant 144 : index
    %swap3A_324 = tpu.vector_load %arg9[%swap3A_323] {strides = array<i32>} : memref<160xf32, #tpu.memory_space<vmem>>, vector<16xf32>,
    tpu.vector_store %arg9[%swap3A_323], %gather3A_310 {strides = array<i32>} : memref<160xf32, #tpu.memory_space<vmem>>, vector<16xf32>,
    %swap3A_325 = arith.constant 144 : index
    %swap3A_326 = tpu.vector_load %arg10[%swap3A_325] {strides = array<i32>} : memref<160xf32, #tpu.memory_space<vmem>>, vector<16xf32>,
    tpu.vector_store %arg10[%swap3A_325], %gather3A_314 {strides = array<i32>} : memref<160xf32, #tpu.memory_space<vmem>>, vector<16xf32>,
    %swap3A_327 = arith.constant 144 : index
    %swap3A_328 = tpu.vector_load %arg11[%swap3A_327] {strides = array<i32>} : memref<160xf32, #tpu.memory_space<vmem>>, vector<16xf32>,
    tpu.vector_store %arg11[%swap3A_327], %gather3A_318 {strides = array<i32>} : memref<160xf32, #tpu.memory_space<vmem>>, vector<16xf32>,
    %swap3A_329 = arith.constant 144 : index
    %swap3A_330 = tpu.vector_load %arg12[%swap3A_329] {strides = array<i32>} : memref<160xf32, #tpu.memory_space<vmem>>, vector<16xf32>,
    tpu.vector_store %arg12[%swap3A_329], %gather3A_322 {strides = array<i32>} : memref<160xf32, #tpu.memory_space<vmem>>, vector<16xf32>,
    %sub3A_331 = arith.subf %gather3A_318, %gather3A_310 : vector<16xf32>
    %sub3A_332 = arith.subf %gather3A_322, %gather3A_314 : vector<16xf32>
    %mul3A_333 = arith.mulf %sub3A_331, %sub3A_332 : vector<16xf32>
    %swap3A_334 = arith.constant 144 : index
    %swap3A_335 = tpu.vector_load %arg13[%swap3A_334] {strides = array<i32>} : memref<160xf32, #tpu.memory_space<vmem>>, vector<16xf32>,
    tpu.vector_store %arg13[%swap3A_334], %mul3A_333 {strides = array<i32>} : memref<160xf32, #tpu.memory_space<vmem>>, vector<16xf32>,
    %gather3A_336 = tpu.vector_load_idx %arg7[%get3A_306] : memref<5008xf32, #tpu.memory_space<vmem>>[vector<16xi32>], vector<16xf32>,
    %swap3A_337 = arith.constant 144 : index
    %swap3A_338 = tpu.vector_load %arg14[%swap3A_337] {strides = array<i32>} : memref<160xf32, #tpu.memory_space<vmem>>, vector<16xf32>,
    tpu.vector_store %arg14[%swap3A_337], %gather3A_336 {strides = array<i32>} : memref<160xf32, #tpu.memory_space<vmem>>, vector<16xf32>,
    %add3A_339 = arith.constant 0 : i32
    %add3A_340 = arith.addi %add3A_339, %mul3A_2 : i32
    "tpu.region"() ({
      %run_scoped3A = tpu.sem_alloc : memref<!tpu.dma_semaphore, #tpu.memory_space<semaphore_mem>>
      %dma_start3A = tpu.memref_slice %arg5[%add3A_340] : memref<40960xf32, #tpu.memory_space<hbm>> -> memref<160xf32, #tpu.memory_space<hbm>>
      %dma_start3A_351 = tpu.memref_slice %arg5[%add3A_340] : memref<40960xf32, #tpu.memory_space<hbm>> -> memref<160xf32, #tpu.memory_space<hbm>>
      tpu.enqueue_dma source(%arg9 : memref<160xf32, #tpu.memory_space<vmem>>) target(%dma_start3A_351 : memref<160xf32, #tpu.memory_space<hbm>>) target_semaphore(%run_scoped3A : memref<!tpu.dma_semaphore, #tpu.memory_space<semaphore_mem>>)
      %dma_wait3A = tpu.memref_slice %arg5[%add3A_340] : memref<40960xf32, #tpu.memory_space<hbm>> -> memref<160xf32, #tpu.memory_space<hbm>>
      %dma_wait3A_352 = tpu.memref_slice %arg5[%add3A_340] : memref<40960xf32, #tpu.memory_space<hbm>> -> memref<160xf32, #tpu.memory_space<hbm>>
      tpu.wait_dma2 semaphore(%run_scoped3A : memref<!tpu.dma_semaphore, #tpu.memory_space<semaphore_mem>>) src(%arg9 : memref<160xf32, #tpu.memory_space<vmem>>) dst(%dma_wait3A_352 : memref<160xf32, #tpu.memory_space<hbm>>)
      tpu.yield
    }) : () -> ()
    %add3A_341 = arith.constant 5120 : i32
    %add3A_342 = arith.addi %add3A_341, %mul3A_2 : i32
    "tpu.region"() ({
      %run_scoped3A = tpu.sem_alloc : memref<!tpu.dma_semaphore, #tpu.memory_space<semaphore_mem>>
      %dma_start3A = tpu.memref_slice %arg5[%add3A_342] : memref<40960xf32, #tpu.memory_space<hbm>> -> memref<160xf32, #tpu.memory_space<hbm>>
      %dma_start3A_351 = tpu.memref_slice %arg5[%add3A_342] : memref<40960xf32, #tpu.memory_space<hbm>> -> memref<160xf32, #tpu.memory_space<hbm>>
      tpu.enqueue_dma source(%arg10 : memref<160xf32, #tpu.memory_space<vmem>>) target(%dma_start3A_351 : memref<160xf32, #tpu.memory_space<hbm>>) target_semaphore(%run_scoped3A : memref<!tpu.dma_semaphore, #tpu.memory_space<semaphore_mem>>)
      %dma_wait3A = tpu.memref_slice %arg5[%add3A_342] : memref<40960xf32, #tpu.memory_space<hbm>> -> memref<160xf32, #tpu.memory_space<hbm>>
      %dma_wait3A_352 = tpu.memref_slice %arg5[%add3A_342] : memref<40960xf32, #tpu.memory_space<hbm>> -> memref<160xf32, #tpu.memory_space<hbm>>
      tpu.wait_dma2 semaphore(%run_scoped3A : memref<!tpu.dma_semaphore, #tpu.memory_space<semaphore_mem>>) src(%arg10 : memref<160xf32, #tpu.memory_space<vmem>>) dst(%dma_wait3A_352 : memref<160xf32, #tpu.memory_space<hbm>>)
      tpu.yield
    }) : () -> ()
    %add3A_343 = arith.constant 10240 : i32
    %add3A_344 = arith.addi %add3A_343, %mul3A_2 : i32
    "tpu.region"() ({
      %run_scoped3A = tpu.sem_alloc : memref<!tpu.dma_semaphore, #tpu.memory_space<semaphore_mem>>
      %dma_start3A = tpu.memref_slice %arg5[%add3A_344] : memref<40960xf32, #tpu.memory_space<hbm>> -> memref<160xf32, #tpu.memory_space<hbm>>
      %dma_start3A_351 = tpu.memref_slice %arg5[%add3A_344] : memref<40960xf32, #tpu.memory_space<hbm>> -> memref<160xf32, #tpu.memory_space<hbm>>
      tpu.enqueue_dma source(%arg11 : memref<160xf32, #tpu.memory_space<vmem>>) target(%dma_start3A_351 : memref<160xf32, #tpu.memory_space<hbm>>) target_semaphore(%run_scoped3A : memref<!tpu.dma_semaphore, #tpu.memory_space<semaphore_mem>>)
      %dma_wait3A = tpu.memref_slice %arg5[%add3A_344] : memref<40960xf32, #tpu.memory_space<hbm>> -> memref<160xf32, #tpu.memory_space<hbm>>
      %dma_wait3A_352 = tpu.memref_slice %arg5[%add3A_344] : memref<40960xf32, #tpu.memory_space<hbm>> -> memref<160xf32, #tpu.memory_space<hbm>>
      tpu.wait_dma2 semaphore(%run_scoped3A : memref<!tpu.dma_semaphore, #tpu.memory_space<semaphore_mem>>) src(%arg11 : memref<160xf32, #tpu.memory_space<vmem>>) dst(%dma_wait3A_352 : memref<160xf32, #tpu.memory_space<hbm>>)
      tpu.yield
    }) : () -> ()
    %add3A_345 = arith.constant 15360 : i32
    %add3A_346 = arith.addi %add3A_345, %mul3A_2 : i32
    "tpu.region"() ({
      %run_scoped3A = tpu.sem_alloc : memref<!tpu.dma_semaphore, #tpu.memory_space<semaphore_mem>>
      %dma_start3A = tpu.memref_slice %arg5[%add3A_346] : memref<40960xf32, #tpu.memory_space<hbm>> -> memref<160xf32, #tpu.memory_space<hbm>>
      %dma_start3A_351 = tpu.memref_slice %arg5[%add3A_346] : memref<40960xf32, #tpu.memory_space<hbm>> -> memref<160xf32, #tpu.memory_space<hbm>>
      tpu.enqueue_dma source(%arg12 : memref<160xf32, #tpu.memory_space<vmem>>) target(%dma_start3A_351 : memref<160xf32, #tpu.memory_space<hbm>>) target_semaphore(%run_scoped3A : memref<!tpu.dma_semaphore, #tpu.memory_space<semaphore_mem>>)
      %dma_wait3A = tpu.memref_slice %arg5[%add3A_346] : memref<40960xf32, #tpu.memory_space<hbm>> -> memref<160xf32, #tpu.memory_space<hbm>>
      %dma_wait3A_352 = tpu.memref_slice %arg5[%add3A_346] : memref<40960xf32, #tpu.memory_space<hbm>> -> memref<160xf32, #tpu.memory_space<hbm>>
      tpu.wait_dma2 semaphore(%run_scoped3A : memref<!tpu.dma_semaphore, #tpu.memory_space<semaphore_mem>>) src(%arg12 : memref<160xf32, #tpu.memory_space<vmem>>) dst(%dma_wait3A_352 : memref<160xf32, #tpu.memory_space<hbm>>)
      tpu.yield
    }) : () -> ()
    %add3A_347 = arith.constant 20480 : i32
    %add3A_348 = arith.addi %add3A_347, %mul3A_2 : i32
    "tpu.region"() ({
      %run_scoped3A = tpu.sem_alloc : memref<!tpu.dma_semaphore, #tpu.memory_space<semaphore_mem>>
      %dma_start3A = tpu.memref_slice %arg5[%add3A_348] : memref<40960xf32, #tpu.memory_space<hbm>> -> memref<160xf32, #tpu.memory_space<hbm>>
      %dma_start3A_351 = tpu.memref_slice %arg5[%add3A_348] : memref<40960xf32, #tpu.memory_space<hbm>> -> memref<160xf32, #tpu.memory_space<hbm>>
      tpu.enqueue_dma source(%arg13 : memref<160xf32, #tpu.memory_space<vmem>>) target(%dma_start3A_351 : memref<160xf32, #tpu.memory_space<hbm>>) target_semaphore(%run_scoped3A : memref<!tpu.dma_semaphore, #tpu.memory_space<semaphore_mem>>)
      %dma_wait3A = tpu.memref_slice %arg5[%add3A_348] : memref<40960xf32, #tpu.memory_space<hbm>> -> memref<160xf32, #tpu.memory_space<hbm>>
      %dma_wait3A_352 = tpu.memref_slice %arg5[%add3A_348] : memref<40960xf32, #tpu.memory_space<hbm>> -> memref<160xf32, #tpu.memory_space<hbm>>
      tpu.wait_dma2 semaphore(%run_scoped3A : memref<!tpu.dma_semaphore, #tpu.memory_space<semaphore_mem>>) src(%arg13 : memref<160xf32, #tpu.memory_space<vmem>>) dst(%dma_wait3A_352 : memref<160xf32, #tpu.memory_space<hbm>>)
      tpu.yield
    }) : () -> ()
    %add3A_349 = arith.constant 25600 : i32
    %add3A_350 = arith.addi %add3A_349, %mul3A_2 : i32
    "tpu.region"() ({
      %run_scoped3A = tpu.sem_alloc : memref<!tpu.dma_semaphore, #tpu.memory_space<semaphore_mem>>
      %dma_start3A = tpu.memref_slice %arg5[%add3A_350] : memref<40960xf32, #tpu.memory_space<hbm>> -> memref<160xf32, #tpu.memory_space<hbm>>
      %dma_start3A_351 = tpu.memref_slice %arg5[%add3A_350] : memref<40960xf32, #tpu.memory_space<hbm>> -> memref<160xf32, #tpu.memory_space<hbm>>
      tpu.enqueue_dma source(%arg14 : memref<160xf32, #tpu.memory_space<vmem>>) target(%dma_start3A_351 : memref<160xf32, #tpu.memory_space<hbm>>) target_semaphore(%run_scoped3A : memref<!tpu.dma_semaphore, #tpu.memory_space<semaphore_mem>>)
      %dma_wait3A = tpu.memref_slice %arg5[%add3A_350] : memref<40960xf32, #tpu.memory_space<hbm>> -> memref<160xf32, #tpu.memory_space<hbm>>
      %dma_wait3A_352 = tpu.memref_slice %arg5[%add3A_350] : memref<40960xf32, #tpu.memory_space<hbm>> -> memref<160xf32, #tpu.memory_space<hbm>>
      tpu.wait_dma2 semaphore(%run_scoped3A : memref<!tpu.dma_semaphore, #tpu.memory_space<semaphore_mem>>) src(%arg14 : memref<160xf32, #tpu.memory_space<vmem>>) dst(%dma_wait3A_352 : memref<160xf32, #tpu.memory_space<hbm>>)
      tpu.yield
    }) : () -> ()
    return
  }
}

module attributes {stable_mosaic.version = 14 : i64} {
  func.func @_nms_kernel(%arg0: memref<8x5120xf32, #tpu.memory_space<vmem>>, %arg1: memref<5120x8xf32, #tpu.memory_space<vmem>>, %arg2: memref<8x5120xf32, #tpu.memory_space<vmem>>, %arg3: memref<8x5120xf32, #tpu.memory_space<vmem>>, %arg4: memref<640x640xf32, #tpu.memory_space<vmem>>, %arg5: memref<5x640x640xf32, #tpu.memory_space<vmem>>) attributes {dimension_semantics = [], scalar_prefetch = 0 : i64, scratch_operands = 3 : i64, tpu.core_type = #tpu.core_type<tc>} {
    %scan3A = arith.constant 0 : i32
    %scan3A_0 = arith.constant 8 : i32
    %scan3A_1 = arith.addi %scan3A, %scan3A_0 : i32
    %scan3A_2 = arith.constant 1 : i32
    scf.for %scan3A_47 = %scan3A to %scan3A_1 step %scan3A_2  : i32 {
      %mul3A_48 = arith.constant 640 : i32
      %mul3A_49 = arith.muli %scan3A_47, %mul3A_48 : i32
      %get3A_50 = arith.index_cast %mul3A_49 : i32 to index
      %get3A_51 = arith.constant 0 : index
      %get3A_52 = vector.load %arg1[%get3A_50, %get3A_51] : memref<5120x8xf32, #tpu.memory_space<vmem>>, vector<640x1xf32>
      %broadcast_in_dim3A_53 = vector.shape_cast %get3A_52 : vector<640x1xf32> to vector<640x1xf32>
      %broadcast_in_dim3A_54 = vector.broadcast %broadcast_in_dim3A_53 : vector<640x1xf32> to vector<640x640xf32>
      %swap3A_55 = arith.constant 0 : index
      %swap3A_56 = arith.constant 0 : index
      %swap3A_57 = arith.constant 0 : index
      %swap3A_58 = vector.load %arg5[%swap3A_55, %swap3A_56, %swap3A_57] : memref<5x640x640xf32, #tpu.memory_space<vmem>>, vector<1x640x640xf32>
      %swap3A_59 = vector.shape_cast %swap3A_58 : vector<1x640x640xf32> to vector<640x640xf32>
      %swap3A_60 = vector.shape_cast %broadcast_in_dim3A_54 : vector<640x640xf32> to vector<1x640x640xf32>
      tpu.vector_store %arg5[%swap3A_55, %swap3A_56, %swap3A_57], %swap3A_60 {strides = array<i32>} : memref<5x640x640xf32, #tpu.memory_space<vmem>>, vector<1x640x640xf32>,
      %get3A_61 = arith.index_cast %mul3A_49 : i32 to index
      %get3A_62 = arith.constant 1 : index
      %get3A_63 = vector.load %arg1[%get3A_61, %get3A_62] : memref<5120x8xf32, #tpu.memory_space<vmem>>, vector<640x1xf32>
      %broadcast_in_dim3A_64 = vector.shape_cast %get3A_63 : vector<640x1xf32> to vector<640x1xf32>
      %broadcast_in_dim3A_65 = vector.broadcast %broadcast_in_dim3A_64 : vector<640x1xf32> to vector<640x640xf32>
      %swap3A_66 = arith.constant 1 : index
      %swap3A_67 = arith.constant 0 : index
      %swap3A_68 = arith.constant 0 : index
      %swap3A_69 = vector.load %arg5[%swap3A_66, %swap3A_67, %swap3A_68] : memref<5x640x640xf32, #tpu.memory_space<vmem>>, vector<1x640x640xf32>
      %swap3A_70 = vector.shape_cast %swap3A_69 : vector<1x640x640xf32> to vector<640x640xf32>
      %swap3A_71 = vector.shape_cast %broadcast_in_dim3A_65 : vector<640x640xf32> to vector<1x640x640xf32>
      tpu.vector_store %arg5[%swap3A_66, %swap3A_67, %swap3A_68], %swap3A_71 {strides = array<i32>} : memref<5x640x640xf32, #tpu.memory_space<vmem>>, vector<1x640x640xf32>,
      %get3A_72 = arith.index_cast %mul3A_49 : i32 to index
      %get3A_73 = arith.constant 2 : index
      %get3A_74 = vector.load %arg1[%get3A_72, %get3A_73] : memref<5120x8xf32, #tpu.memory_space<vmem>>, vector<640x1xf32>
      %broadcast_in_dim3A_75 = vector.shape_cast %get3A_74 : vector<640x1xf32> to vector<640x1xf32>
      %broadcast_in_dim3A_76 = vector.broadcast %broadcast_in_dim3A_75 : vector<640x1xf32> to vector<640x640xf32>
      %swap3A_77 = arith.constant 2 : index
      %swap3A_78 = arith.constant 0 : index
      %swap3A_79 = arith.constant 0 : index
      %swap3A_80 = vector.load %arg5[%swap3A_77, %swap3A_78, %swap3A_79] : memref<5x640x640xf32, #tpu.memory_space<vmem>>, vector<1x640x640xf32>
      %swap3A_81 = vector.shape_cast %swap3A_80 : vector<1x640x640xf32> to vector<640x640xf32>
      %swap3A_82 = vector.shape_cast %broadcast_in_dim3A_76 : vector<640x640xf32> to vector<1x640x640xf32>
      tpu.vector_store %arg5[%swap3A_77, %swap3A_78, %swap3A_79], %swap3A_82 {strides = array<i32>} : memref<5x640x640xf32, #tpu.memory_space<vmem>>, vector<1x640x640xf32>,
      %get3A_83 = arith.index_cast %mul3A_49 : i32 to index
      %get3A_84 = arith.constant 3 : index
      %get3A_85 = vector.load %arg1[%get3A_83, %get3A_84] : memref<5120x8xf32, #tpu.memory_space<vmem>>, vector<640x1xf32>
      %broadcast_in_dim3A_86 = vector.shape_cast %get3A_85 : vector<640x1xf32> to vector<640x1xf32>
      %broadcast_in_dim3A_87 = vector.broadcast %broadcast_in_dim3A_86 : vector<640x1xf32> to vector<640x640xf32>
      %swap3A_88 = arith.constant 3 : index
      %swap3A_89 = arith.constant 0 : index
      %swap3A_90 = arith.constant 0 : index
      %swap3A_91 = vector.load %arg5[%swap3A_88, %swap3A_89, %swap3A_90] : memref<5x640x640xf32, #tpu.memory_space<vmem>>, vector<1x640x640xf32>
      %swap3A_92 = vector.shape_cast %swap3A_91 : vector<1x640x640xf32> to vector<640x640xf32>
      %swap3A_93 = vector.shape_cast %broadcast_in_dim3A_87 : vector<640x640xf32> to vector<1x640x640xf32>
      tpu.vector_store %arg5[%swap3A_88, %swap3A_89, %swap3A_90], %swap3A_93 {strides = array<i32>} : memref<5x640x640xf32, #tpu.memory_space<vmem>>, vector<1x640x640xf32>,
      %get3A_94 = arith.index_cast %mul3A_49 : i32 to index
      %get3A_95 = arith.constant 4 : index
      %get3A_96 = vector.load %arg1[%get3A_94, %get3A_95] : memref<5120x8xf32, #tpu.memory_space<vmem>>, vector<640x1xf32>
      %broadcast_in_dim3A_97 = vector.shape_cast %get3A_96 : vector<640x1xf32> to vector<640x1xf32>
      %broadcast_in_dim3A_98 = vector.broadcast %broadcast_in_dim3A_97 : vector<640x1xf32> to vector<640x640xf32>
      %swap3A_99 = arith.constant 4 : index
      %swap3A_100 = arith.constant 0 : index
      %swap3A_101 = arith.constant 0 : index
      %swap3A_102 = vector.load %arg5[%swap3A_99, %swap3A_100, %swap3A_101] : memref<5x640x640xf32, #tpu.memory_space<vmem>>, vector<1x640x640xf32>
      %swap3A_103 = vector.shape_cast %swap3A_102 : vector<1x640x640xf32> to vector<640x640xf32>
      %swap3A_104 = vector.shape_cast %broadcast_in_dim3A_98 : vector<640x640xf32> to vector<1x640x640xf32>
      tpu.vector_store %arg5[%swap3A_99, %swap3A_100, %swap3A_101], %swap3A_104 {strides = array<i32>} : memref<5x640x640xf32, #tpu.memory_space<vmem>>, vector<1x640x640xf32>,
      %broadcast_in_dim3A_105 = arith.constant 0.000000e+00 : f32
      %broadcast_in_dim3A_106 = vector.broadcast %broadcast_in_dim3A_105 : f32 to vector<1x640xf32>
      %while3A = arith.constant 0 : i32
      %while3A_107 = arith.subi %scan3A_47, %while3A : i32
      %while3A_108 = arith.addi %while3A, %while3A_107 : i32
      %while3A_109 = arith.constant 1 : i32
      %while3A_110 = arith.divsi %while3A_107, %while3A_109 : i32
      %while3A_111 = arith.muli %while3A_110, %while3A_109 : i32
      %while3A_112 = arith.addi %while3A, %while3A_111 : i32
      %while3A_113 = arith.constant 1 : i32
      %while3A_114 = scf.for %while3A_197 = %while3A to %while3A_112 step %while3A_113 iter_args(%while3A_198 = %broadcast_in_dim3A_106) -> (vector<1x640xf32>)  : i32 {
        %mul3A_199 = arith.constant 640 : i32
        %mul3A_200 = arith.muli %while3A_197, %mul3A_199 : i32
        %get3A_201 = arith.constant 0 : index
        %get3A_202 = arith.index_cast %mul3A_200 : i32 to index
        %get3A_203 = vector.load %arg0[%get3A_201, %get3A_202] : memref<8x5120xf32, #tpu.memory_space<vmem>>, vector<1x640xf32>
        %get3A_204 = arith.constant 1 : index
        %get3A_205 = arith.index_cast %mul3A_200 : i32 to index
        %get3A_206 = vector.load %arg0[%get3A_204, %get3A_205] : memref<8x5120xf32, #tpu.memory_space<vmem>>, vector<1x640xf32>
        %get3A_207 = arith.constant 2 : index
        %get3A_208 = arith.index_cast %mul3A_200 : i32 to index
        %get3A_209 = vector.load %arg0[%get3A_207, %get3A_208] : memref<8x5120xf32, #tpu.memory_space<vmem>>, vector<1x640xf32>
        %get3A_210 = arith.constant 3 : index
        %get3A_211 = arith.index_cast %mul3A_200 : i32 to index
        %get3A_212 = vector.load %arg0[%get3A_210, %get3A_211] : memref<8x5120xf32, #tpu.memory_space<vmem>>, vector<1x640xf32>
        %get3A_213 = arith.constant 4 : index
        %get3A_214 = arith.index_cast %mul3A_200 : i32 to index
        %get3A_215 = vector.load %arg0[%get3A_213, %get3A_214] : memref<8x5120xf32, #tpu.memory_space<vmem>>, vector<1x640xf32>
        %get3A_216 = arith.constant 0 : index
        %get3A_217 = arith.constant 0 : index
        %get3A_218 = arith.constant 0 : index
        %get3A_219 = vector.load %arg5[%get3A_216, %get3A_217, %get3A_218] : memref<5x640x640xf32, #tpu.memory_space<vmem>>, vector<1x640x640xf32>
        %get3A_220 = vector.shape_cast %get3A_219 : vector<1x640x640xf32> to vector<640x640xf32>
        %max3A_221 = vector.broadcast %get3A_203 : vector<1x640xf32> to vector<640x640xf32>
        %max3A_222 = arith.maximumf %get3A_220, %max3A_221 : vector<640x640xf32>
        %get3A_223 = arith.constant 1 : index
        %get3A_224 = arith.constant 0 : index
        %get3A_225 = arith.constant 0 : index
        %get3A_226 = vector.load %arg5[%get3A_223, %get3A_224, %get3A_225] : memref<5x640x640xf32, #tpu.memory_space<vmem>>, vector<1x640x640xf32>
        %get3A_227 = vector.shape_cast %get3A_226 : vector<1x640x640xf32> to vector<640x640xf32>
        %max3A_228 = vector.broadcast %get3A_206 : vector<1x640xf32> to vector<640x640xf32>
        %max3A_229 = arith.maximumf %get3A_227, %max3A_228 : vector<640x640xf32>
        %get3A_230 = arith.constant 2 : index
        %get3A_231 = arith.constant 0 : index
        %get3A_232 = arith.constant 0 : index
        %get3A_233 = vector.load %arg5[%get3A_230, %get3A_231, %get3A_232] : memref<5x640x640xf32, #tpu.memory_space<vmem>>, vector<1x640x640xf32>
        %get3A_234 = vector.shape_cast %get3A_233 : vector<1x640x640xf32> to vector<640x640xf32>
        %min3A_235 = vector.broadcast %get3A_209 : vector<1x640xf32> to vector<640x640xf32>
        %min3A_236 = arith.minimumf %get3A_234, %min3A_235 : vector<640x640xf32>
        %get3A_237 = arith.constant 3 : index
        %get3A_238 = arith.constant 0 : index
        %get3A_239 = arith.constant 0 : index
        %get3A_240 = vector.load %arg5[%get3A_237, %get3A_238, %get3A_239] : memref<5x640x640xf32, #tpu.memory_space<vmem>>, vector<1x640x640xf32>
        %get3A_241 = vector.shape_cast %get3A_240 : vector<1x640x640xf32> to vector<640x640xf32>
        %min3A_242 = vector.broadcast %get3A_212 : vector<1x640xf32> to vector<640x640xf32>
        %min3A_243 = arith.minimumf %get3A_241, %min3A_242 : vector<640x640xf32>
        %sub3A_244 = arith.subf %min3A_236, %max3A_222 : vector<640x640xf32>
        %max3A_245 = arith.constant 0.000000e+00 : f32
        %max3A_246 = vector.broadcast %max3A_245 : f32 to vector<640x640xf32>
        %max3A_247 = arith.maximumf %sub3A_244, %max3A_246 : vector<640x640xf32>
        %sub3A_248 = arith.subf %min3A_243, %max3A_229 : vector<640x640xf32>
        %max3A_249 = arith.constant 0.000000e+00 : f32
        %max3A_250 = vector.broadcast %max3A_249 : f32 to vector<640x640xf32>
        %max3A_251 = arith.maximumf %sub3A_248, %max3A_250 : vector<640x640xf32>
        %mul3A_252 = arith.mulf %max3A_247, %max3A_251 : vector<640x640xf32>
        %get3A_253 = arith.constant 4 : index
        %get3A_254 = arith.constant 0 : index
        %get3A_255 = arith.constant 0 : index
        %get3A_256 = vector.load %arg5[%get3A_253, %get3A_254, %get3A_255] : memref<5x640x640xf32, #tpu.memory_space<vmem>>, vector<1x640x640xf32>
        %get3A_257 = vector.shape_cast %get3A_256 : vector<1x640x640xf32> to vector<640x640xf32>
        %add3A_258 = vector.broadcast %get3A_215 : vector<1x640xf32> to vector<640x640xf32>
        %add3A_259 = arith.addf %get3A_257, %add3A_258 : vector<640x640xf32>
        %sub3A_260 = arith.subf %add3A_259, %mul3A_252 : vector<640x640xf32>
        %add3A_261 = arith.constant 9.99999971E-10 : f32
        %add3A_262 = vector.broadcast %add3A_261 : f32 to vector<640x640xf32>
        %add3A_263 = arith.addf %sub3A_260, %add3A_262 : vector<640x640xf32>
        %div3A_264 = arith.divf %mul3A_252, %add3A_263 : vector<640x640xf32>
        %gt3A_265 = arith.constant 5.000000e-01 : f32
        %gt3A_266 = vector.broadcast %gt3A_265 : f32 to vector<640x640xf32>
        %gt3A_267 = arith.cmpf ogt, %div3A_264, %gt3A_266 : vector<640x640xf32>
        %convert_element_type3A_268 = arith.extui %gt3A_267 : vector<640x640xi1> to vector<640x640xi32>
        %convert_element_type3A_269 = arith.sitofp %convert_element_type3A_268 : vector<640x640xi32> to vector<640x640xf32>
        %get3A_270 = arith.constant 0 : index
        %get3A_271 = arith.index_cast %mul3A_200 : i32 to index
        %get3A_272 = vector.load %arg3[%get3A_270, %get3A_271] : memref<8x5120xf32, #tpu.memory_space<vmem>>, vector<1x640xf32>
        %dot_general3A = arith.constant dense<0.000000e+00> : vector<1x640xf32>
        %dot_general3A_273 = tpu.matmul %get3A_272, %convert_element_type3A_269, %dot_general3A {dimension_numbers = #tpu.dot_dimension_numbers<[1], [1], [0], [0], [0, 0, 1, 0], [], []>, transpose_lhs_hint = false} : vector<1x640xf32>, vector<640x640xf32>, vector<1x640xf32> -> vector<1x640xf32>
        %add3A_274 = arith.addf %while3A_198, %dot_general3A_273 : vector<1x640xf32>
        scf.yield %add3A_274 : vector<1x640xf32>
      }
      %while3A_115 = arith.constant 1 : i32
      %while3A_116 = scf.for %while3A_197 = %while3A_112 to %while3A_108 step %while3A_115 iter_args(%while3A_198 = %while3A_114) -> (vector<1x640xf32>)  : i32 {
        %mul3A_199 = arith.constant 640 : i32
        %mul3A_200 = arith.muli %while3A_197, %mul3A_199 : i32
        %get3A_201 = arith.constant 0 : index
        %get3A_202 = arith.index_cast %mul3A_200 : i32 to index
        %get3A_203 = vector.load %arg0[%get3A_201, %get3A_202] : memref<8x5120xf32, #tpu.memory_space<vmem>>, vector<1x640xf32>
        %get3A_204 = arith.constant 1 : index
        %get3A_205 = arith.index_cast %mul3A_200 : i32 to index
        %get3A_206 = vector.load %arg0[%get3A_204, %get3A_205] : memref<8x5120xf32, #tpu.memory_space<vmem>>, vector<1x640xf32>
        %get3A_207 = arith.constant 2 : index
        %get3A_208 = arith.index_cast %mul3A_200 : i32 to index
        %get3A_209 = vector.load %arg0[%get3A_207, %get3A_208] : memref<8x5120xf32, #tpu.memory_space<vmem>>, vector<1x640xf32>
        %get3A_210 = arith.constant 3 : index
        %get3A_211 = arith.index_cast %mul3A_200 : i32 to index
        %get3A_212 = vector.load %arg0[%get3A_210, %get3A_211] : memref<8x5120xf32, #tpu.memory_space<vmem>>, vector<1x640xf32>
        %get3A_213 = arith.constant 4 : index
        %get3A_214 = arith.index_cast %mul3A_200 : i32 to index
        %get3A_215 = vector.load %arg0[%get3A_213, %get3A_214] : memref<8x5120xf32, #tpu.memory_space<vmem>>, vector<1x640xf32>
        %get3A_216 = arith.constant 0 : index
        %get3A_217 = arith.constant 0 : index
        %get3A_218 = arith.constant 0 : index
        %get3A_219 = vector.load %arg5[%get3A_216, %get3A_217, %get3A_218] : memref<5x640x640xf32, #tpu.memory_space<vmem>>, vector<1x640x640xf32>
        %get3A_220 = vector.shape_cast %get3A_219 : vector<1x640x640xf32> to vector<640x640xf32>
        %max3A_221 = vector.broadcast %get3A_203 : vector<1x640xf32> to vector<640x640xf32>
        %max3A_222 = arith.maximumf %get3A_220, %max3A_221 : vector<640x640xf32>
        %get3A_223 = arith.constant 1 : index
        %get3A_224 = arith.constant 0 : index
        %get3A_225 = arith.constant 0 : index
        %get3A_226 = vector.load %arg5[%get3A_223, %get3A_224, %get3A_225] : memref<5x640x640xf32, #tpu.memory_space<vmem>>, vector<1x640x640xf32>
        %get3A_227 = vector.shape_cast %get3A_226 : vector<1x640x640xf32> to vector<640x640xf32>
        %max3A_228 = vector.broadcast %get3A_206 : vector<1x640xf32> to vector<640x640xf32>
        %max3A_229 = arith.maximumf %get3A_227, %max3A_228 : vector<640x640xf32>
        %get3A_230 = arith.constant 2 : index
        %get3A_231 = arith.constant 0 : index
        %get3A_232 = arith.constant 0 : index
        %get3A_233 = vector.load %arg5[%get3A_230, %get3A_231, %get3A_232] : memref<5x640x640xf32, #tpu.memory_space<vmem>>, vector<1x640x640xf32>
        %get3A_234 = vector.shape_cast %get3A_233 : vector<1x640x640xf32> to vector<640x640xf32>
        %min3A_235 = vector.broadcast %get3A_209 : vector<1x640xf32> to vector<640x640xf32>
        %min3A_236 = arith.minimumf %get3A_234, %min3A_235 : vector<640x640xf32>
        %get3A_237 = arith.constant 3 : index
        %get3A_238 = arith.constant 0 : index
        %get3A_239 = arith.constant 0 : index
        %get3A_240 = vector.load %arg5[%get3A_237, %get3A_238, %get3A_239] : memref<5x640x640xf32, #tpu.memory_space<vmem>>, vector<1x640x640xf32>
        %get3A_241 = vector.shape_cast %get3A_240 : vector<1x640x640xf32> to vector<640x640xf32>
        %min3A_242 = vector.broadcast %get3A_212 : vector<1x640xf32> to vector<640x640xf32>
        %min3A_243 = arith.minimumf %get3A_241, %min3A_242 : vector<640x640xf32>
        %sub3A_244 = arith.subf %min3A_236, %max3A_222 : vector<640x640xf32>
        %max3A_245 = arith.constant 0.000000e+00 : f32
        %max3A_246 = vector.broadcast %max3A_245 : f32 to vector<640x640xf32>
        %max3A_247 = arith.maximumf %sub3A_244, %max3A_246 : vector<640x640xf32>
        %sub3A_248 = arith.subf %min3A_243, %max3A_229 : vector<640x640xf32>
        %max3A_249 = arith.constant 0.000000e+00 : f32
        %max3A_250 = vector.broadcast %max3A_249 : f32 to vector<640x640xf32>
        %max3A_251 = arith.maximumf %sub3A_248, %max3A_250 : vector<640x640xf32>
        %mul3A_252 = arith.mulf %max3A_247, %max3A_251 : vector<640x640xf32>
        %get3A_253 = arith.constant 4 : index
        %get3A_254 = arith.constant 0 : index
        %get3A_255 = arith.constant 0 : index
        %get3A_256 = vector.load %arg5[%get3A_253, %get3A_254, %get3A_255] : memref<5x640x640xf32, #tpu.memory_space<vmem>>, vector<1x640x640xf32>
        %get3A_257 = vector.shape_cast %get3A_256 : vector<1x640x640xf32> to vector<640x640xf32>
        %add3A_258 = vector.broadcast %get3A_215 : vector<1x640xf32> to vector<640x640xf32>
        %add3A_259 = arith.addf %get3A_257, %add3A_258 : vector<640x640xf32>
        %sub3A_260 = arith.subf %add3A_259, %mul3A_252 : vector<640x640xf32>
        %add3A_261 = arith.constant 9.99999971E-10 : f32
        %add3A_262 = vector.broadcast %add3A_261 : f32 to vector<640x640xf32>
        %add3A_263 = arith.addf %sub3A_260, %add3A_262 : vector<640x640xf32>
        %div3A_264 = arith.divf %mul3A_252, %add3A_263 : vector<640x640xf32>
        %gt3A_265 = arith.constant 5.000000e-01 : f32
        %gt3A_266 = vector.broadcast %gt3A_265 : f32 to vector<640x640xf32>
        %gt3A_267 = arith.cmpf ogt, %div3A_264, %gt3A_266 : vector<640x640xf32>
        %convert_element_type3A_268 = arith.extui %gt3A_267 : vector<640x640xi1> to vector<640x640xi32>
        %convert_element_type3A_269 = arith.sitofp %convert_element_type3A_268 : vector<640x640xi32> to vector<640x640xf32>
        %get3A_270 = arith.constant 0 : index
        %get3A_271 = arith.index_cast %mul3A_200 : i32 to index
        %get3A_272 = vector.load %arg3[%get3A_270, %get3A_271] : memref<8x5120xf32, #tpu.memory_space<vmem>>, vector<1x640xf32>
        %dot_general3A = arith.constant dense<0.000000e+00> : vector<1x640xf32>
        %dot_general3A_273 = tpu.matmul %get3A_272, %convert_element_type3A_269, %dot_general3A {dimension_numbers = #tpu.dot_dimension_numbers<[1], [1], [0], [0], [0, 0, 1, 0], [], []>, transpose_lhs_hint = false} : vector<1x640xf32>, vector<640x640xf32>, vector<1x640xf32> -> vector<1x640xf32>
        %add3A_274 = arith.addf %while3A_198, %dot_general3A_273 : vector<1x640xf32>
        scf.yield %add3A_274 : vector<1x640xf32>
      }
      %lt3A = arith.constant 5.000000e-01 : f32
      %lt3A_117 = vector.broadcast %lt3A : f32 to vector<1x640xf32>
      %lt3A_118 = arith.cmpf olt, %while3A_116, %lt3A_117 : vector<1x640xf32>
      %convert_element_type3A = arith.extui %lt3A_118 : vector<1x640xi1> to vector<1x640xi32>
      %convert_element_type3A_119 = arith.sitofp %convert_element_type3A : vector<1x640xi32> to vector<1x640xf32>
      %get3A_120 = arith.constant 0 : index
      %get3A_121 = arith.index_cast %mul3A_49 : i32 to index
      %get3A_122 = vector.load %arg0[%get3A_120, %get3A_121] : memref<8x5120xf32, #tpu.memory_space<vmem>>, vector<1x640xf32>
      %get3A_123 = arith.constant 1 : index
      %get3A_124 = arith.index_cast %mul3A_49 : i32 to index
      %get3A_125 = vector.load %arg0[%get3A_123, %get3A_124] : memref<8x5120xf32, #tpu.memory_space<vmem>>, vector<1x640xf32>
      %get3A_126 = arith.constant 2 : index
      %get3A_127 = arith.index_cast %mul3A_49 : i32 to index
      %get3A_128 = vector.load %arg0[%get3A_126, %get3A_127] : memref<8x5120xf32, #tpu.memory_space<vmem>>, vector<1x640xf32>
      %get3A_129 = arith.constant 3 : index
      %get3A_130 = arith.index_cast %mul3A_49 : i32 to index
      %get3A_131 = vector.load %arg0[%get3A_129, %get3A_130] : memref<8x5120xf32, #tpu.memory_space<vmem>>, vector<1x640xf32>
      %get3A_132 = arith.constant 4 : index
      %get3A_133 = arith.index_cast %mul3A_49 : i32 to index
      %get3A_134 = vector.load %arg0[%get3A_132, %get3A_133] : memref<8x5120xf32, #tpu.memory_space<vmem>>, vector<1x640xf32>
      %get3A_135 = arith.constant 0 : index
      %get3A_136 = arith.constant 0 : index
      %get3A_137 = arith.constant 0 : index
      %get3A_138 = vector.load %arg5[%get3A_135, %get3A_136, %get3A_137] : memref<5x640x640xf32, #tpu.memory_space<vmem>>, vector<1x640x640xf32>
      %get3A_139 = vector.shape_cast %get3A_138 : vector<1x640x640xf32> to vector<640x640xf32>
      %max3A = vector.broadcast %get3A_122 : vector<1x640xf32> to vector<640x640xf32>
      %max3A_140 = arith.maximumf %get3A_139, %max3A : vector<640x640xf32>
      %get3A_141 = arith.constant 1 : index
      %get3A_142 = arith.constant 0 : index
      %get3A_143 = arith.constant 0 : index
      %get3A_144 = vector.load %arg5[%get3A_141, %get3A_142, %get3A_143] : memref<5x640x640xf32, #tpu.memory_space<vmem>>, vector<1x640x640xf32>
      %get3A_145 = vector.shape_cast %get3A_144 : vector<1x640x640xf32> to vector<640x640xf32>
      %max3A_146 = vector.broadcast %get3A_125 : vector<1x640xf32> to vector<640x640xf32>
      %max3A_147 = arith.maximumf %get3A_145, %max3A_146 : vector<640x640xf32>
      %get3A_148 = arith.constant 2 : index
      %get3A_149 = arith.constant 0 : index
      %get3A_150 = arith.constant 0 : index
      %get3A_151 = vector.load %arg5[%get3A_148, %get3A_149, %get3A_150] : memref<5x640x640xf32, #tpu.memory_space<vmem>>, vector<1x640x640xf32>
      %get3A_152 = vector.shape_cast %get3A_151 : vector<1x640x640xf32> to vector<640x640xf32>
      %min3A = vector.broadcast %get3A_128 : vector<1x640xf32> to vector<640x640xf32>
      %min3A_153 = arith.minimumf %get3A_152, %min3A : vector<640x640xf32>
      %get3A_154 = arith.constant 3 : index
      %get3A_155 = arith.constant 0 : index
      %get3A_156 = arith.constant 0 : index
      %get3A_157 = vector.load %arg5[%get3A_154, %get3A_155, %get3A_156] : memref<5x640x640xf32, #tpu.memory_space<vmem>>, vector<1x640x640xf32>
      %get3A_158 = vector.shape_cast %get3A_157 : vector<1x640x640xf32> to vector<640x640xf32>
      %min3A_159 = vector.broadcast %get3A_131 : vector<1x640xf32> to vector<640x640xf32>
      %min3A_160 = arith.minimumf %get3A_158, %min3A_159 : vector<640x640xf32>
      %sub3A_161 = arith.subf %min3A_153, %max3A_140 : vector<640x640xf32>
      %max3A_162 = arith.constant 0.000000e+00 : f32
      %max3A_163 = vector.broadcast %max3A_162 : f32 to vector<640x640xf32>
      %max3A_164 = arith.maximumf %sub3A_161, %max3A_163 : vector<640x640xf32>
      %sub3A_165 = arith.subf %min3A_160, %max3A_147 : vector<640x640xf32>
      %max3A_166 = arith.constant 0.000000e+00 : f32
      %max3A_167 = vector.broadcast %max3A_166 : f32 to vector<640x640xf32>
      %max3A_168 = arith.maximumf %sub3A_165, %max3A_167 : vector<640x640xf32>
      %mul3A_169 = arith.mulf %max3A_164, %max3A_168 : vector<640x640xf32>
      %get3A_170 = arith.constant 4 : index
      %get3A_171 = arith.constant 0 : index
      %get3A_172 = arith.constant 0 : index
      %get3A_173 = vector.load %arg5[%get3A_170, %get3A_171, %get3A_172] : memref<5x640x640xf32, #tpu.memory_space<vmem>>, vector<1x640x640xf32>
      %get3A_174 = vector.shape_cast %get3A_173 : vector<1x640x640xf32> to vector<640x640xf32>
      %add3A = vector.broadcast %get3A_134 : vector<1x640xf32> to vector<640x640xf32>
      %add3A_175 = arith.addf %get3A_174, %add3A : vector<640x640xf32>
      %sub3A_176 = arith.subf %add3A_175, %mul3A_169 : vector<640x640xf32>
      %add3A_177 = arith.constant 9.99999971E-10 : f32
      %add3A_178 = vector.broadcast %add3A_177 : f32 to vector<640x640xf32>
      %add3A_179 = arith.addf %sub3A_176, %add3A_178 : vector<640x640xf32>
      %div3A = arith.divf %mul3A_169, %add3A_179 : vector<640x640xf32>
      %iota3A = tpu.iota {dimensions = array<i32: 0>} : vector<640x640xi32>
      %iota3A_180 = tpu.iota {dimensions = array<i32: 1>} : vector<640x640xi32>
      %gt3A = arith.constant 5.000000e-01 : f32
      %gt3A_181 = vector.broadcast %gt3A : f32 to vector<640x640xf32>
      %gt3A_182 = arith.cmpf ogt, %div3A, %gt3A_181 : vector<640x640xf32>
      %lt3A_183 = arith.cmpi slt, %iota3A_180, %iota3A : vector<640x640xi32>
      %and3A = arith.andi %gt3A_182, %lt3A_183 : vector<640x640xi1>
      %jit3A = arith.constant 1.000000e+00 : f32
      %jit3A_184 = arith.constant 0.000000e+00 : f32
      %broadcast_in_dim3A_185 = vector.broadcast %jit3A : f32 to vector<640x640xf32>
      %broadcast_in_dim3A_186 = vector.broadcast %jit3A_184 : f32 to vector<640x640xf32>
      %select_n3A_187 = arith.select %and3A, %broadcast_in_dim3A_185, %broadcast_in_dim3A_186 : vector<640x640xi1>, vector<640x640xf32>
      %swap3A_188 = arith.constant 0 : index
      %swap3A_189 = arith.constant 0 : index
      %swap3A_190 = vector.load %arg4[%swap3A_188, %swap3A_189] : memref<640x640xf32, #tpu.memory_space<vmem>>, vector<640x640xf32>
      tpu.vector_store %arg4[%swap3A_188, %swap3A_189], %select_n3A_187 {strides = array<i32>} : memref<640x640xf32, #tpu.memory_space<vmem>>, vector<640x640xf32>,
      %while3A_191 = arith.constant 0 : i32
      %while3A_192 = arith.constant true
      %while3A_193:3 = scf.while (%while3A_197 = %while3A_191, %while3A_198 = %convert_element_type3A_119, %while3A_199 = %while3A_192) : (i32, vector<1x640xf32>, i1) -> (i32, vector<1x640xf32>, i1) {
        %lt3A_200 = arith.constant 640 : i32
        %lt3A_201 = arith.cmpi slt, %while3A_197, %lt3A_200 : i32
        %and3A_202 = arith.andi %while3A_199, %lt3A_201 : i1
        scf.condition(%and3A_202) %while3A_197, %while3A_198, %while3A_199 : i32, vector<1x640xf32>, i1
      } do {
      ^bb0(%while3A_197: i32, %while3A_198: vector<1x640xf32>, %while3A_199: i1):
        %get3A_200 = arith.constant 0 : index
        %get3A_201 = arith.constant 0 : index
        %get3A_202 = vector.load %arg4[%get3A_200, %get3A_201] : memref<640x640xf32, #tpu.memory_space<vmem>>, vector<640x640xf32>
        %dot_general3A = arith.constant dense<0.000000e+00> : vector<1x640xf32>
        %dot_general3A_203 = tpu.matmul %while3A_198, %get3A_202, %dot_general3A {dimension_numbers = #tpu.dot_dimension_numbers<[1], [1], [0], [0], [0, 0, 1, 0], [], []>, transpose_lhs_hint = false} : vector<1x640xf32>, vector<640x640xf32>, vector<1x640xf32> -> vector<1x640xf32>
        %lt3A_204 = arith.constant 5.000000e-01 : f32
        %lt3A_205 = vector.broadcast %lt3A_204 : f32 to vector<1x640xf32>
        %lt3A_206 = arith.cmpf olt, %dot_general3A_203, %lt3A_205 : vector<1x640xf32>
        %jit3A_207 = arith.constant 0.000000e+00 : f32
        %broadcast_in_dim3A_208 = vector.broadcast %jit3A_207 : f32 to vector<1x640xf32>
        %select_n3A_209 = arith.select %lt3A_206, %convert_element_type3A_119, %broadcast_in_dim3A_208 : vector<1x640xi1>, vector<1x640xf32>
        %add3A_210 = arith.constant 1 : i32
        %add3A_211 = arith.addi %while3A_197, %add3A_210 : i32
        %ne3A = arith.cmpf one, %select_n3A_209, %while3A_198 : vector<1x640xf32>
        %reduce_or3A = arith.constant 1.000000e+00 : f32
        %reduce_or3A_212 = arith.constant 0.000000e+00 : f32
        %reduce_or3A_213 = vector.broadcast %reduce_or3A : f32 to vector<1x640xf32>
        %reduce_or3A_214 = vector.broadcast %reduce_or3A_212 : f32 to vector<1x640xf32>
        %reduce_or3A_215 = arith.select %ne3A, %reduce_or3A_213, %reduce_or3A_214 : vector<1x640xi1>, vector<1x640xf32>
        %reduce_or3A_216 = vector.shape_cast %reduce_or3A_215 : vector<1x640xf32> to vector<1x1x640xf32>
        %reduce_or3A_217 = arith.constant dense<0xFF800000> : vector<1xf32>
        %reduce_or3A_218 = vector.multi_reduction <maximumf>, %reduce_or3A_216, %reduce_or3A_217 [1, 2] : vector<1x1x640xf32> to vector<1xf32>
        %reduce_or3A_219 = vector.shape_cast %reduce_or3A_218 : vector<1xf32> to vector<1x1x1xf32>
        %reduce_or3A_220 = vector.extract %reduce_or3A_219[0, 0, 0] : f32 from vector<1x1x1xf32>
        %reduce_or3A_221 = arith.constant 0.000000e+00 : f32
        %reduce_or3A_222 = arith.cmpf ogt, %reduce_or3A_220, %reduce_or3A_221 : f32
        scf.yield %add3A_211, %select_n3A_209, %reduce_or3A_222 : i32, vector<1x640xf32>, i1
      }
      %swap3A_194 = arith.constant 0 : index
      %swap3A_195 = arith.index_cast %mul3A_49 : i32 to index
      %swap3A_196 = vector.load %arg3[%swap3A_194, %swap3A_195] : memref<8x5120xf32, #tpu.memory_space<vmem>>, vector<1x640xf32>
      tpu.vector_store %arg3[%swap3A_194, %swap3A_195], %while3A_193#1 {strides = array<i32>} : memref<8x5120xf32, #tpu.memory_space<vmem>>, vector<1x640xf32>,
    }
    %scan3A_3 = arith.constant 8 : i32
    %get3A = arith.constant 0 : index
    %get3A_4 = arith.constant 0 : index
    %get3A_5 = vector.load %arg3[%get3A, %get3A_4] : memref<8x5120xf32, #tpu.memory_space<vmem>>, vector<1x5120xf32>
    %get3A_6 = arith.constant 5 : index
    %get3A_7 = arith.constant 0 : index
    %get3A_8 = vector.load %arg0[%get3A_6, %get3A_7] : memref<8x5120xf32, #tpu.memory_space<vmem>>, vector<1x5120xf32>
    %ge3A = arith.constant 1.000000e+00 : f32
    %ge3A_9 = vector.broadcast %ge3A : f32 to vector<1x5120xf32>
    %ge3A_10 = arith.cmpf oge, %get3A_8, %ge3A_9 : vector<1x5120xf32>
    %sub3A = arith.constant 1.000000e+00 : f32
    %sub3A_11 = vector.broadcast %sub3A : f32 to vector<1x5120xf32>
    %sub3A_12 = arith.subf %get3A_8, %sub3A_11 : vector<1x5120xf32>
    %select_n3A = arith.select %ge3A_10, %sub3A_12, %get3A_8 : vector<1x5120xi1>, vector<1x5120xf32>
    %mul3A = arith.mulf %select_n3A, %get3A_5 : vector<1x5120xf32>
    %swap3A = arith.constant 0 : index
    %swap3A_13 = arith.constant 0 : index
    %swap3A_14 = vector.load %arg2[%swap3A, %swap3A_13] : memref<8x5120xf32, #tpu.memory_space<vmem>>, vector<1x5120xf32>
    tpu.vector_store %arg2[%swap3A, %swap3A_13], %mul3A {strides = array<i32>} : memref<8x5120xf32, #tpu.memory_space<vmem>>, vector<1x5120xf32>,
    %get3A_15 = arith.constant 0 : index
    %get3A_16 = arith.constant 0 : index
    %get3A_17 = vector.load %arg0[%get3A_15, %get3A_16] : memref<8x5120xf32, #tpu.memory_space<vmem>>, vector<1x5120xf32>
    %mul3A_18 = arith.mulf %get3A_17, %get3A_5 : vector<1x5120xf32>
    %swap3A_19 = arith.constant 1 : index
    %swap3A_20 = arith.constant 0 : index
    %swap3A_21 = vector.load %arg2[%swap3A_19, %swap3A_20] : memref<8x5120xf32, #tpu.memory_space<vmem>>, vector<1x5120xf32>
    tpu.vector_store %arg2[%swap3A_19, %swap3A_20], %mul3A_18 {strides = array<i32>} : memref<8x5120xf32, #tpu.memory_space<vmem>>, vector<1x5120xf32>,
    %get3A_22 = arith.constant 1 : index
    %get3A_23 = arith.constant 0 : index
    %get3A_24 = vector.load %arg0[%get3A_22, %get3A_23] : memref<8x5120xf32, #tpu.memory_space<vmem>>, vector<1x5120xf32>
    %mul3A_25 = arith.mulf %get3A_24, %get3A_5 : vector<1x5120xf32>
    %swap3A_26 = arith.constant 2 : index
    %swap3A_27 = arith.constant 0 : index
    %swap3A_28 = vector.load %arg2[%swap3A_26, %swap3A_27] : memref<8x5120xf32, #tpu.memory_space<vmem>>, vector<1x5120xf32>
    tpu.vector_store %arg2[%swap3A_26, %swap3A_27], %mul3A_25 {strides = array<i32>} : memref<8x5120xf32, #tpu.memory_space<vmem>>, vector<1x5120xf32>,
    %get3A_29 = arith.constant 2 : index
    %get3A_30 = arith.constant 0 : index
    %get3A_31 = vector.load %arg0[%get3A_29, %get3A_30] : memref<8x5120xf32, #tpu.memory_space<vmem>>, vector<1x5120xf32>
    %mul3A_32 = arith.mulf %get3A_31, %get3A_5 : vector<1x5120xf32>
    %swap3A_33 = arith.constant 3 : index
    %swap3A_34 = arith.constant 0 : index
    %swap3A_35 = vector.load %arg2[%swap3A_33, %swap3A_34] : memref<8x5120xf32, #tpu.memory_space<vmem>>, vector<1x5120xf32>
    tpu.vector_store %arg2[%swap3A_33, %swap3A_34], %mul3A_32 {strides = array<i32>} : memref<8x5120xf32, #tpu.memory_space<vmem>>, vector<1x5120xf32>,
    %get3A_36 = arith.constant 3 : index
    %get3A_37 = arith.constant 0 : index
    %get3A_38 = vector.load %arg0[%get3A_36, %get3A_37] : memref<8x5120xf32, #tpu.memory_space<vmem>>, vector<1x5120xf32>
    %mul3A_39 = arith.mulf %get3A_38, %get3A_5 : vector<1x5120xf32>
    %swap3A_40 = arith.constant 4 : index
    %swap3A_41 = arith.constant 0 : index
    %swap3A_42 = vector.load %arg2[%swap3A_40, %swap3A_41] : memref<8x5120xf32, #tpu.memory_space<vmem>>, vector<1x5120xf32>
    tpu.vector_store %arg2[%swap3A_40, %swap3A_41], %mul3A_39 {strides = array<i32>} : memref<8x5120xf32, #tpu.memory_space<vmem>>, vector<1x5120xf32>,
    %broadcast_in_dim3A = arith.constant 0.000000e+00 : f32
    %broadcast_in_dim3A_43 = vector.broadcast %broadcast_in_dim3A : f32 to vector<3x5120xf32>
    %swap3A_44 = arith.constant 5 : index
    %swap3A_45 = arith.constant 0 : index
    %swap3A_46 = vector.load %arg2[%swap3A_44, %swap3A_45] : memref<8x5120xf32, #tpu.memory_space<vmem>>, vector<3x5120xf32>
    tpu.vector_store %arg2[%swap3A_44, %swap3A_45], %broadcast_in_dim3A_43 {strides = array<i32>} : memref<8x5120xf32, #tpu.memory_space<vmem>>, vector<3x5120xf32>,
    return
  }
}

</mosaic_0001>

<sc_bundles>
// kernel: kernel.4.cloned.1.call-start
scs
__scs_entry_jumppad:
0x0: {  	(pc) =	sbr.rel $0x88, $3  }
0x1: {  	(tag) =	ssettag $0x0;
	lr =	simm.s32 $0x1  }
0x2: {  	[smem:$0x3F9F] =	sst lr;
	_ =	strace $0xD0000000  }
0x3: {  	_ = 	snop  }
0x4: {  	_ = 	snop  }
0x5: {  	_ = 	snop  }
0x6: {  	_ = 	snop  }
0x7: {  	_ = 	snop  }
__scs_overlays_trampoline_lowered:
0x8: {  	[smem:$0x3FAE] =	sst s0  }
0x9: {  	[smem:$0x3FAF] =	sst s1  }
0xa: {  	[smem:$0x3FB0] =	sst s2  }
0xb: {  	[smem:$0x3FB1] =	sst s3  }
0xc: {  	[smem:$0x3FB2] =	sst s4  }
0xd: {  	[smem:$0x3FB3] =	sst s5  }
0xe: {  	[smem:$0x3FB4] =	sst s6  }
0xf: {  	[smem:$0x3FB5] =	sst s7  }
0x10: {  	[smem:$0x3FB6] =	sst s8  }
0x11: {  	[smem:$0x3FB7] =	sst s9;
	s0 =	simm.s32 @!p0 $0x0  }
0x12: {  	s1 =	sld [smem:$0x3F9D];
	s0 =	simm.s32 @p0 $0x1  }
0x13: {  	[smem:$0x3FB8] =	sst s0;
	s0 =	simm.s32 @!p1 $0x0  }
0x14: {  	s2 =	sld [smem:$0x3F9C];
	s0 =	simm.s32 @p1 $0x1  }
0x15: {  	[smem:$0x3FB9] =	sst s0;
	s0 =	simm.s32 @!p2 $0x0  }
0x16: {  	s3 =	sld [smem:$0x3FDB];
	s0 =	simm.s32 @p2 $0x1  }
0x17: {  	s4 =	simm.s32 $0x1BF5;
	[smem:$0x3FBB] =	sst s0  }
0x18: {  	s0 =	sld [smem:$0x3F9E];
	_ =	swait.ge [sflag:s4], $0x0  }
0x19: {  	s7 =	sld [smem:$0x3F9F]  }
0x1a: {  	s8 =	sadd.s32 $0xFFFFE003, lr  }
0x1b: {  	s9 =	sadd.s32 $0xFFFFFEF7, lr;
	s5 =	simm.s32 $0xFFFFFFFF;
	p2 =	slt.u32 s8, $0xFFFFF086  }
0x1c: {  	p1 =	slt.u32 s9, $0xF7A;
	s5 =	simm.s32 @!p2 $0x0  }
0x1d: {  	s5 =	simm.s32 @p1 $0x1;
	p0 =	seq.s32 s7, s2  }
0x1e: {  	s7 =	smul.u32 @!p0 $0xF7A, s2;
	p2 =	seq.s32 @!p0 s5, $0x0  }
0x1f: {  	s9 =	smul.u32 $0xF7A, s1;
	s8 =	simm.s32 @!p0 $0x1BF5;
	p2 =	por !p2, p0  }
0x20: {  	[sflag:s8] =	ssyncset.s32 @!p0 $0xFFFFF086;
	s6 =	sadd.s32 @!p0 s3, s7;
	s7 =	simm.s32 @!p0 $0x108  }
0x21: {  	s3 =	sadd.s32 s3, s9;
	s6 =	sadd.s32 @!p0 $0x88, s6;
	s7 =	simm.s32 @p2 $0x1082  }
0x22: {  	[simem:s7], [sflag:s8] =	dma.local @!p0 [hbm:s6], $0xF7A  }
0x23: {  	s9 =	sor.u32 $0xD0000000, s2;
	s6 =	simm.s32 $0x108;
	_ =	swait.ge @!p0 [sflag:s8], $0x0  }
0x24: {  	s3 =	sadd.s32 $0x88, s3;
	s6 =	simm.s32 @!p1 $0x1082;
	[sflag:s4] =	ssyncset.s32 $0xFFFFF086  }
0x25: {  	[simem:s6], [sflag:s4] =	dma.local [hbm:s3], $0xF7A  }
0x26: {  	[smem:$0x3F9F] =	sst s1;
	(tag) =	ssettag s2;
	_ =	strace s9  }
0x27: {  	s1 =	sld [smem:$0x3FAF]  }
0x28: {  	s2 =	sld [smem:$0x3FB0]  }
0x29: {  	s4 =	sld [smem:$0x3FB2]  }
0x2a: {  	p0 =	seq.s32 s5, $0x0;
	s5 =	sld [smem:$0x3FB3]  }
0x2b: {  	s6 =	sld [smem:$0x3FB4]  }
0x2c: {  	s7 =	sld [smem:$0x3FB5]  }
0x2d: {  	s3 =	simm.s32 $0x108;
	s8 =	sld [smem:$0x3FB6]  }
0x2e: {  	s3 =	simm.s32 @!p0 $0x1082;
	s9 =	sld [smem:$0x3FB7]  }
0x2f: {  	lr =	sadd.s32 s0, s3;
	s0 =	sld [smem:$0x3FAE]  }
0x30: {  	s3 =	sld [smem:$0x3FB1]  }
0x31: {  	[smem:$0x3FBA] =	sst s10  }
0x32: {  	s10 =	sld [smem:$0x3FB8];
	_ =	sdelay $0x3  }
0x33: {  	p0 =	seq.s32 s10, $0x1;
	s10 =	sld [smem:$0x3FBA];
	_ =	sdelay $0x3  }
0x34: {  	[smem:$0x3FBA] =	sst s10  }
0x35: {  	s10 =	sld [smem:$0x3FB9];
	_ =	sdelay $0x3  }
0x36: {  	p1 =	seq.s32 s10, $0x1;
	s10 =	sld [smem:$0x3FBA];
	_ =	sdelay $0x3  }
0x37: {  	[smem:$0x3FBA] =	sst s10  }
0x38: {  	s10 =	sld [smem:$0x3FBB]  }
0x39: {  	_ = 	snop;
	(pc) =	sbr.ind lr, $3  }
0x3a: {  	_ = 	snop  }
0x3b: {  	_ = 	snop  }
0x3c: {  	p2 =	seq.s32 s10, $0x1;
	s10 =	sld [smem:$0x3FBA]  }
0x3d: {  	_ =	shalt  }
0x3e: {  	_ =	shalt  }
0x3f: {  	_ =	shalt  }
0x40: {  	_ =	shalt  }
0x41: {  	_ =	shalt  }
0x42: {  	_ =	shalt  }
0x43: {  	_ =	shalt  }
0x44: {  	_ =	shalt  }
0x45: {  	_ =	shalt  }
0x46: {  	_ =	shalt  }
0x47: {  	_ =	shalt  }
0x48: {  	_ =	shalt  }
0x49: {  	_ =	shalt  }
0x4a: {  	_ =	shalt  }
0x4b: {  	_ =	shalt  }
0x4c: {  	_ =	shalt  }
0x4d: {  	_ =	shalt  }
0x4e: {  	_ =	shalt  }
0x4f: {  	_ =	shalt  }
0x50: {  	_ =	shalt  }
0x51: {  	_ =	shalt  }
0x52: {  	_ =	shalt  }
0x53: {  	_ =	shalt  }
0x54: {  	_ =	shalt  }
0x55: {  	_ =	shalt  }
0x56: {  	_ =	shalt  }
0x57: {  	_ =	shalt  }
0x58: {  	_ =	shalt  }
0x59: {  	_ =	shalt  }
0x5a: {  	_ =	shalt  }
0x5b: {  	_ =	shalt  }
0x5c: {  	_ =	shalt  }
0x5d: {  	_ =	shalt  }
0x5e: {  	_ =	shalt  }
0x5f: {  	_ =	shalt  }
0x60: {  	_ =	shalt  }
0x61: {  	_ =	shalt  }
0x62: {  	_ =	shalt  }
0x63: {  	_ =	shalt  }
0x64: {  	_ =	shalt  }
0x65: {  	_ =	shalt  }
0x66: {  	_ =	shalt  }
0x67: {  	_ =	shalt  }
0x68: {  	_ =	shalt  }
0x69: {  	_ =	shalt  }
0x6a: {  	_ =	shalt  }
0x6b: {  	_ =	shalt  }
0x6c: {  	_ =	shalt  }
0x6d: {  	_ =	shalt  }
0x6e: {  	_ =	shalt  }
0x6f: {  	_ =	shalt  }
0x70: {  	_ =	shalt  }
0x71: {  	_ =	shalt  }
0x72: {  	_ =	shalt  }
0x73: {  	_ =	shalt  }
0x74: {  	_ =	shalt  }
0x75: {  	_ =	shalt  }
0x76: {  	_ =	shalt  }
0x77: {  	_ =	shalt  }
0x78: {  	_ =	shalt  }
0x79: {  	_ =	shalt  }
0x7a: {  	_ =	shalt  }
0x7b: {  	_ =	shalt  }
0x7c: {  	_ =	shalt  }
0x7d: {  	_ =	shalt  }
0x7e: {  	_ =	shalt  }
0x7f: {  	_ =	shalt  }
0x80: {  	_ =	shalt  }
0x81: {  	_ =	shalt  }
0x82: {  	_ =	shalt  }
0x83: {  	_ =	shalt  }
0x84: {  	_ =	shalt  }
0x85: {  	_ =	shalt  }
0x86: {  	_ =	shalt  }
0x87: {  	_ =	shalt  }
.Lfunc_end0:
.L_simem_size_0:
called_computation_lowered:
.L_overlay_start_0:
0x88: {  	s2 =	sld [smem:$0x3FD9]  }
0x89: {  	s3 =	sld [smem:$0x3FFE];
	_ =	sdelay $0x1  }
0x8a: {  	s1 =	srdreg.scid  }
0x8b: {  	s0 =	sand.u32 $0x1, s1  }
0x8c: {  	s17 =	sshll.u32 s0, $0xA;
	s2 =	sadd.s32 s3, s2  }
0x8d: {  	s2 =	sadd.s32 s2, s17  }
0x8e: {  	[smem:$0x3FC6] =	sst s2  }
0x8f: {  	_ = 	snop  }
0x90: {  	s2 =	sld [smem:$0x3FD0];
	(tm) =	ssettm $0x1  }
0x91: {  	s18 =	sld [smem:$0x3FFB];
	_ =	sdelay $0x3  }
0x92: {  	_ =	strace s18  }
0x93: {  	s3 =	sld [smem:$0x3FFC];
	_ =	sdelay $0x3  }
0x94: {  	_ =	strace s3  }
0x95: {  	s3 =	sld [smem:$0x3FFD];
	_ =	sdelay $0x3  }
0x96: {  	_ =	strace s3  }
0x97: {  	_ =	strace $0x8FFFFFFF  }
0x98: {  	s19 =	sld [smem:$0x3FDB];
	_ =	sdelay $0x1  }
0x99: {  	s4 =	simm.s32 $_scs_section_size  }
0x9a: {  	s5 =	simm.s32 $_size__tile_overlayer_lowered;
	s6 =	simm.s32 $_tile_overlayer_lowered  }
0x9b: {  	s22 =	simm.s32 $0x1BFF;
	s21 =	sshll.u32 s6, $0x1;
	s3 =	sadd.s32 s4, s19  }
0x9c: {  	s7 =	simm.s32 $0x0;
	s20 =	sshll.u32 s5, $0x1;
	s5 =	sadd.s32 s21, s3  }
0x9d: {  	[timem:s7], [sflag:s22] =	dma.local [hbm:s5], s20  }
0x9e: {  	_ =	swait.ge [sflag:s22], s20  }
0x9f: {  	s4 =	ssub.s32 $0x0, s20;
	[sflag:s22] =	ssyncset.done $0x0  }
0xa0: {  	[sflag:s22] =	ssyncadd.s32 s4;
	_ =	sdelay $0x1  }
0xa1: {  	s23 =	simm.s32 $0x1B8B  }
0xa2: {  	_ =	swait.ge [sflag:s23], $0x1  }
0xa3: {  	[sflag:s23] =	ssyncset.done $0x0  }
0xa4: {  	s25 =	simm.s32 $0x1B8E;
	s24 =	sld [smem:$0x3FFE];
	[sflag:s23] =	ssyncadd.s32 $0xFFFFFFFF  }
0xa5: {  	s26 =	simm.s32 $execute0_lowered;
	[smem:$0x3FD2] =	sst s25  }
0xa6: {  	s5 =	sshll.u32 s26, $0x1;
	_ =	strace $0x80000046;
	[dreg:$0x1] =	wrdreg $0xFFFFFFFF  }
0xa7: {  	s28 =	simm.s32 $_size_execute0_lowered;
	s3 =	sadd.s32 s3, s5;
	[dreg:$0x0] =	wrdreg $0x0  }
0xa8: {  	s5 =	sshll.u32 s28, $0x1;
	[dreg:$0x2] =	wrdreg s3  }
0xa9: {  	[dreg:$0x3] =	wrdreg s5  }
0xaa: {  	[dreg:$0x4] =	wrdreg $0xC0  }
0xab: {  	_ =	task [dreg:s7], $0x5FFFF  }
0xac: {  	[dreg:$0x1] =	wrdreg $0xFFFFFFFF  }
0xad: {  	[dreg:$0x0] =	wrdreg $0x60  }
0xae: {  	[dreg:$0x2] =	wrdreg s24  }
0xaf: {  	[dreg:$0x3] =	wrdreg s2  }
0xb0: {  	[dreg:$0x4] =	wrdreg $0x9  }
0xb1: {  	_ =	task.clear_ibuf [dreg:s7], $0x5FFFF;
	_ =	strace $0x90000046  }
0xb2: {  	s29 =	simm.s32 $0x9;
	_ =	strace $0x80000048  }
0xb3: {  	_ =	swait.ge [sflag:s29], $0x1  }
0xb4: {  	[sflag:s29] =	ssyncadd.s32 $0xFFFFFFFF  }
0xb5: {  	_ =	strace $0x90000048  }
0xb6: {  	_ =	sfence  }
0xb7: {  	s30 =	sld [smem:$0x0];
	_ =	sdelay $0x2  }
0xb8: {  	s31 =	sshll.u32 s1, $0xD;
	s1 =	sshrl.u32 s1, $0x2  }
0xb9: {  	s3 =	sand.u32 $0x4000, s31;
	s1 =	sadd.s32 s1, s30  }
0xba: {  	s0 =	sor.u32 s3, s0;
	s1 =	sshll.u32 s1, $0x11  }
0xbb: {  	s0 =	sor.u32 s1, s0  }
0xbc: {  	s0 =	sadd.s32 $0x8F2B, s0  }
0xbd: {  	[sflag:s0] =	ssyncadd.remote.s32 $0x1  }
0xbe: {  	_ =	sfence.sel $0xFFFF  }
0xbf: {  	[dreg:$0x0] =	wrdreg $0xFFFFFFFF;
	(pc) =	sbr.abs _section_cstart, $3  }
0xc0: {  	[dreg:$0x1] =	wrdreg $0xFFFFFFFF  }
0xc1: {  	_ =	task.clear_ibuf [dreg:s7], $0x2FFFF;
	_ =	strace $0x9FFFFFFF  }
0xc2: {  	(tm) =	ssettm $0x7FFFFFFF  }
0xc3: {  	_ =	shalt  }
tec
execute0_lowered:
.L_overlay_start_1:
0x0: {  	(tag) =	ssettag $0x1  }
0x1: {  	s4 =	rddreg [dreg:$0x0]  }
0x2: {  	s9 =	rddreg [dreg:$0x1]  }
0x3: {  	s0 =	rddreg [dreg:$0x2];
	s2 =	simm.s32 $0x0;
	s6 =	srdreg.scid  }
0x4: {  	s1 =	stileid.u32;
	[smem:$0x7FF] =	sst s2  }
0x5: {  	s3 =	simm.s32 $0x1;
	s5 =	sadd.s32 $0x400, s4;
	_ =	strace $0x80000047  }
0x6: {  	[tilespmem:s2], [sflag:$0x1] =	stream.linear.gather [hbm4b:s5+s2], $0x4E80, $0x38;
	[tilespmem:$0x6980] =	vst v63  }
0x7: {  	s10 =	sand.u32 $0x1, s6;
	s31 =	sshll.u32 s1, $0x1;
	_ =	swait.ge [sflag:s3], $0x4E80  }
0x8: {  	s6 =	sor.u32 s10, s31;
	[sflag:s3] =	ssyncset.done $0x0  }
0x9: {  	s7 =	smul.u32 $0xA0, s6;
	s6 =	simm.s32 $0x4E80;
	[sflag:s3] =	ssyncadd.s32 $0xFFFFB180  }
0xa: {  	[tilespmem:s6], [sflag:$0x1] =	stream.linear.gather [hbm4b:s4+s2], $0x1400, $0x38;
	[tilespmem:$0x6980] =	vst v63  }
0xb: {  	s11 =	sshrl.u32 s7, $0x3;
	_ =	swait.ge [sflag:s3], $0x1400  }
0xc: {  	s7 =	sadd.s32 s11, s4;
	[sflag:s3] =	ssyncset.done $0x0  }
0xd: {  	s8 =	simm.s32 $0x6280;
	s7 =	sadd.s32 $0xE00, s7;
	[sflag:s3] =	ssyncadd.s32 $0xFFFFEC00  }
0xe: {  	[tilespmem:s8], [sflag:$0x1] =	stream.linear.gather [hbm4b:s7+s2], $0xA0, $0x38;
	[tilespmem:$0x6980] =	vst v63  }
0xf: {  	_ =	swait.ge [sflag:s3], $0xA0  }
0x10: {  	[sflag:s3] =	ssyncset.done $0x0  }
0x11: {  	[sflag:s3] =	ssyncadd.s32 $0xFFFFFF60  }
0x12: {  	v0 =	vld [tilespmem:$0x6280];
	_ =	sdelay $0x4  }
0x13: {  	v1 =	vshll.u32 v0, $0x2  }
0x14: {  	v2 =	vor.u32 $0x3, v1  }
0x15: {  	v3 =	vor.u32 $0x1, v1  }
0x16: {  	v4 =	vor.u32 $0x2, v1;
	_ =	sdelay $0x1  }
0x17: {  	v1 =	vld.idx.msk [tilespmem:v1+s2+$0x0], $0xffff  }
0x18: {  	v2 =	vld.idx.msk [tilespmem:v2+s2+$0x0], $0xffff  }
0x19: {  	v3 =	vld.idx.msk [tilespmem:v3+s2+$0x0], $0xffff  }
0x1a: {  	v4 =	vld.idx.msk [tilespmem:v4+s2+$0x0], $0xffff;
	_ =	sdelay $0x4  }
0x1b: {  	[tilespmem:$0x6680] =	vst v2;
	v2 =	vsub.f32 v2, v3;
	v5 =	vsub.f32 v4, v1  }
0x1c: {  	[tilespmem:$0x6480] =	vst v3;
	v3 =	vld [tilespmem:$0x6290]  }
0x1d: {  	[tilespmem:$0x6380] =	vst v1;
	v2 =	vmul.f32 v2, v5  }
0x1e: {  	[tilespmem:$0x6580] =	vst v4  }
0x1f: {  	[tilespmem:$0x6780] =	vst v2  }
0x20: {  	v0 =	vld.idx.msk [tilespmem:v0+s6+$0x0], $0xffff  }
0x21: {  	v1 =	vshll.u32 v3, $0x2  }
0x22: {  	v2 =	vor.u32 $0x2, v1  }
0x23: {  	v42 =	vor.u32 $0x1, v1  }
0x24: {  	v43 =	vor.u32 $0x3, v1  }
0x25: {  	[tilespmem:$0x6880] =	vst v0  }
0x26: {  	v0 =	vld.idx.msk [tilespmem:v1+s2+$0x0], $0xffff  }
0x27: {  	v1 =	vld.idx.msk [tilespmem:v2+s2+$0x0], $0xffff  }
0x28: {  	v2 =	vld.idx.msk [tilespmem:v42+s2+$0x0], $0xffff  }
0x29: {  	v44 =	vld.idx.msk [tilespmem:v43+s2+$0x0], $0xffff;
	_ =	sdelay $0x4  }
0x2a: {  	v6 =	vld [tilespmem:$0x62A0];
	[tilespmem:$0x6390] =	vst v0;
	v0 =	vsub.f32 v1, v0;
	v5 =	vsub.f32 v44, v2  }
0x2b: {  	[tilespmem:$0x6590] =	vst v1  }
0x2c: {  	[tilespmem:$0x6490] =	vst v2;
	v0 =	vmul.f32 v5, v0  }
0x2d: {  	[tilespmem:$0x6690] =	vst v44  }
0x2e: {  	[tilespmem:$0x6790] =	vst v0  }
0x2f: {  	v1 =	vshll.u32 v6, $0x2;
	v0 =	vld.idx.msk [tilespmem:v3+s6+$0x0], $0xffff  }
0x30: {  	v2 =	vor.u32 $0x1, v1  }
0x31: {  	v3 =	vor.u32 $0x2, v1;
	_ =	sdelay $0x1  }
0x32: {  	v45 =	vor.u32 $0x3, v1  }
0x33: {  	[tilespmem:$0x6890] =	vst v0  }
0x34: {  	v0 =	vld.idx.msk [tilespmem:v2+s2+$0x0], $0xffff  }
0x35: {  	v2 =	vld.idx.msk [tilespmem:v3+s2+$0x0], $0xffff  }
0x36: {  	v1 =	vld.idx.msk [tilespmem:v1+s2+$0x0], $0xffff  }
0x37: {  	v3 =	vld.idx.msk [tilespmem:v45+s2+$0x0], $0xffff;
	_ =	sdelay $0x4  }
0x38: {  	v47 =	vld [tilespmem:$0x62B0];
	[tilespmem:$0x64A0] =	vst v0;
	v46 =	vsub.f32 v2, v1;
	v0 =	vsub.f32 v3, v0  }
0x39: {  	[tilespmem:$0x65A0] =	vst v2  }
0x3a: {  	[tilespmem:$0x63A0] =	vst v1;
	v0 =	vmul.f32 v0, v46  }
0x3b: {  	[tilespmem:$0x66A0] =	vst v3  }
0x3c: {  	[tilespmem:$0x67A0] =	vst v0  }
0x3d: {  	v1 =	vshll.u32 v47, $0x2;
	v0 =	vld.idx.msk [tilespmem:v6+s6+$0x0], $0xffff  }
0x3e: {  	v2 =	vor.u32 $0x1, v1  }
0x3f: {  	v3 =	vor.u32 $0x3, v1  }
0x40: {  	v48 =	vor.u32 $0x2, v1;
	_ =	sdelay $0x1  }
0x41: {  	[tilespmem:$0x68A0] =	vst v0  }
0x42: {  	v0 =	vld.idx.msk [tilespmem:v2+s2+$0x0], $0xffff  }
0x43: {  	v2 =	vld.idx.msk [tilespmem:v3+s2+$0x0], $0xffff  }
0x44: {  	v3 =	vld.idx.msk [tilespmem:v48+s2+$0x0], $0xffff  }
0x45: {  	v1 =	vld.idx.msk [tilespmem:v1+s2+$0x0], $0xffff;
	_ =	sdelay $0x4  }
0x46: {  	v49 =	vld [tilespmem:$0x62C0];
	[tilespmem:$0x64B0] =	vst v0;
	v0 =	vsub.f32 v2, v0;
	v4 =	vsub.f32 v3, v1  }
0x47: {  	[tilespmem:$0x66B0] =	vst v2  }
0x48: {  	[tilespmem:$0x65B0] =	vst v3;
	v0 =	vmul.f32 v0, v4  }
0x49: {  	[tilespmem:$0x63B0] =	vst v1  }
0x4a: {  	[tilespmem:$0x67B0] =	vst v0  }
0x4b: {  	v1 =	vshll.u32 v49, $0x2;
	v0 =	vld.idx.msk [tilespmem:v47+s6+$0x0], $0xffff  }
0x4c: {  	v2 =	vor.u32 $0x3, v1;
	_ =	sdelay $0x1  }
0x4d: {  	v3 =	vor.u32 $0x1, v1  }
0x4e: {  	v50 =	vor.u32 $0x2, v1  }
0x4f: {  	[tilespmem:$0x68B0] =	vst v0  }
0x50: {  	v0 =	vld.idx.msk [tilespmem:v2+s2+$0x0], $0xffff  }
0x51: {  	v1 =	vld.idx.msk [tilespmem:v1+s2+$0x0], $0xffff  }
0x52: {  	v2 =	vld.idx.msk [tilespmem:v3+s2+$0x0], $0xffff  }
0x53: {  	v3 =	vld.idx.msk [tilespmem:v50+s2+$0x0], $0xffff;
	_ =	sdelay $0x4  }
0x54: {  	v51 =	vld [tilespmem:$0x62D0];
	[tilespmem:$0x66C0] =	vst v0;
	v0 =	vsub.f32 v0, v2;
	v4 =	vsub.f32 v3, v1  }
0x55: {  	[tilespmem:$0x63C0] =	vst v1  }
0x56: {  	[tilespmem:$0x64C0] =	vst v2;
	v0 =	vmul.f32 v0, v4  }
0x57: {  	[tilespmem:$0x65C0] =	vst v3  }
0x58: {  	[tilespmem:$0x67C0] =	vst v0  }
0x59: {  	v1 =	vshll.u32 v51, $0x2;
	v0 =	vld.idx.msk [tilespmem:v49+s6+$0x0], $0xffff  }
0x5a: {  	v2 =	vor.u32 $0x2, v1  }
0x5b: {  	v3 =	vor.u32 $0x1, v1;
	_ =	sdelay $0x1  }
0x5c: {  	v52 =	vor.u32 $0x3, v1  }
0x5d: {  	[tilespmem:$0x68C0] =	vst v0  }
0x5e: {  	v0 =	vld.idx.msk [tilespmem:v2+s2+$0x0], $0xffff  }
0x5f: {  	v2 =	vld.idx.msk [tilespmem:v3+s2+$0x0], $0xffff  }
0x60: {  	v1 =	vld.idx.msk [tilespmem:v1+s2+$0x0], $0xffff  }
0x61: {  	v3 =	vld.idx.msk [tilespmem:v52+s2+$0x0], $0xffff;
	_ =	sdelay $0x4  }
0x62: {  	v53 =	vld [tilespmem:$0x62E0];
	[tilespmem:$0x65D0] =	vst v0;
	v0 =	vsub.f32 v0, v1;
	v4 =	vsub.f32 v3, v2  }
0x63: {  	[tilespmem:$0x64D0] =	vst v2  }
0x64: {  	[tilespmem:$0x63D0] =	vst v1;
	v0 =	vmul.f32 v4, v0  }
0x65: {  	[tilespmem:$0x66D0] =	vst v3  }
0x66: {  	[tilespmem:$0x67D0] =	vst v0  }
0x67: {  	v1 =	vshll.u32 v53, $0x2;
	v0 =	vld.idx.msk [tilespmem:v51+s6+$0x0], $0xffff  }
0x68: {  	v2 =	vor.u32 $0x2, v1  }
0x69: {  	v3 =	vor.u32 $0x3, v1  }
0x6a: {  	v54 =	vor.u32 $0x1, v1;
	_ =	sdelay $0x1  }
0x6b: {  	[tilespmem:$0x68D0] =	vst v0  }
0x6c: {  	v0 =	vld.idx.msk [tilespmem:v2+s2+$0x0], $0xffff  }
0x6d: {  	v2 =	vld.idx.msk [tilespmem:v3+s2+$0x0], $0xffff  }
0x6e: {  	v3 =	vld.idx.msk [tilespmem:v54+s2+$0x0], $0xffff  }
0x6f: {  	v1 =	vld.idx.msk [tilespmem:v1+s2+$0x0], $0xffff;
	_ =	sdelay $0x4  }
0x70: {  	v55 =	vld [tilespmem:$0x62F0];
	[tilespmem:$0x65E0] =	vst v0;
	v4 =	vsub.f32 v2, v3;
	v0 =	vsub.f32 v0, v1  }
0x71: {  	[tilespmem:$0x66E0] =	vst v2  }
0x72: {  	[tilespmem:$0x64E0] =	vst v3;
	v0 =	vmul.f32 v4, v0  }
0x73: {  	[tilespmem:$0x63E0] =	vst v1  }
0x74: {  	[tilespmem:$0x67E0] =	vst v0  }
0x75: {  	v1 =	vshll.u32 v55, $0x2;
	v0 =	vld.idx.msk [tilespmem:v53+s6+$0x0], $0xffff  }
0x76: {  	v2 =	vor.u32 $0x3, v1  }
0x77: {  	v3 =	vor.u32 $0x2, v1;
	_ =	sdelay $0x1  }
0x78: {  	v56 =	vor.u32 $0x1, v1  }
0x79: {  	[tilespmem:$0x68E0] =	vst v0  }
0x7a: {  	v0 =	vld.idx.msk [tilespmem:v2+s2+$0x0], $0xffff  }
0x7b: {  	v2 =	vld.idx.msk [tilespmem:v3+s2+$0x0], $0xffff  }
0x7c: {  	v1 =	vld.idx.msk [tilespmem:v1+s2+$0x0], $0xffff  }
0x7d: {  	v3 =	vld.idx.msk [tilespmem:v56+s2+$0x0], $0xffff;
	_ =	sdelay $0x4  }
0x7e: {  	v58 =	vld [tilespmem:$0x6300];
	[tilespmem:$0x66F0] =	vst v0;
	v57 =	vsub.f32 v2, v1;
	v0 =	vsub.f32 v0, v3  }
0x7f: {  	[tilespmem:$0x65F0] =	vst v2  }
0x80: {  	[tilespmem:$0x63F0] =	vst v1;
	v0 =	vmul.f32 v0, v57  }
0x81: {  	[tilespmem:$0x64F0] =	vst v3  }
0x82: {  	[tilespmem:$0x67F0] =	vst v0  }
0x83: {  	v1 =	vshll.u32 v58, $0x2;
	v0 =	vld.idx.msk [tilespmem:v55+s6+$0x0], $0xffff  }
0x84: {  	v2 =	vor.u32 $0x2, v1  }
0x85: {  	v3 =	vor.u32 $0x1, v1;
	_ =	sdelay $0x1  }
0x86: {  	v59 =	vor.u32 $0x3, v1  }
0x87: {  	[tilespmem:$0x68F0] =	vst v0  }
0x88: {  	v0 =	vld.idx.msk [tilespmem:v2+s2+$0x0], $0xffff  }
0x89: {  	v2 =	vld.idx.msk [tilespmem:v3+s2+$0x0], $0xffff  }
0x8a: {  	v1 =	vld.idx.msk [tilespmem:v1+s2+$0x0], $0xffff  }
0x8b: {  	v3 =	vld.idx.msk [tilespmem:v59+s2+$0x0], $0xffff;
	_ =	sdelay $0x4  }
0x8c: {  	[tilespmem:$0x6600] =	vst v0;
	v0 =	vsub.f32 v0, v1;
	v4 =	vsub.f32 v3, v2  }
0x8d: {  	[tilespmem:$0x6500] =	vst v2;
	v2 =	vld [tilespmem:$0x6310]  }
0x8e: {  	[tilespmem:$0x6400] =	vst v1;
	v0 =	vmul.f32 v4, v0  }
0x8f: {  	[tilespmem:$0x6700] =	vst v3  }
0x90: {  	[tilespmem:$0x6800] =	vst v0  }
0x91: {  	v0 =	vld.idx.msk [tilespmem:v58+s6+$0x0], $0xffff  }
0x92: {  	v1 =	vshll.u32 v2, $0x2  }
0x93: {  	v3 =	vor.u32 $0x1, v1  }
0x94: {  	v60 =	vor.u32 $0x3, v1  }
0x95: {  	v61 =	vor.u32 $0x2, v1  }
0x96: {  	[tilespmem:$0x6900] =	vst v0  }
0x97: {  	v0 =	vld.idx.msk [tilespmem:v1+s2+$0x0], $0xffff  }
0x98: {  	v1 =	vld.idx.msk [tilespmem:v3+s2+$0x0], $0xffff  }
0x99: {  	v3 =	vld.idx.msk [tilespmem:v60+s2+$0x0], $0xffff  }
0x9a: {  	v62 =	vld.idx.msk [tilespmem:v61+s2+$0x0], $0xffff  }
0x9b: {  	s10 =	ssub.s32 $0x2, s10  }
0x9c: {  	s12 =	sshrl.u32 s10, $0x1  }
0x9d: {  	s15 =	ssub.s32 s10, s12  }
0x9e: {  	s21 =	smax.u32 s15, $0x1  }
0x9f: {  	p0 =	sne.s32 s21, $0x1;
	[tilespmem:$0x6410] =	vst v0;
	v63 =	vsub.f32 v3, v1;
	v0 =	vsub.f32 v62, v0  }
.Ltmp0:
0xa0: {  	s20 =	simm.s32 $0x6380;
	[tilespmem:$0x6510] =	vst v1;
	(pc) =	sbr.rel @!p0 .LBB2_2-.Ltmp0, $4  }
0xa1: {  	s19 =	simm.s32 $0x6480;
	s18 =	simm.s32 $0x6580;
	s17 =	simm.s32 $0x6680;
	[tilespmem:$0x6710] =	vst v3;
	v0 =	vmul.f32 v63, v0  }
0xa2: {  	s16 =	simm.s32 $0x6780;
	s15 =	simm.s32 $0x6880;
	s13 =	sadd.s32 s9, s11;
	[tilespmem:$0x6610] =	vst v62  }
0xa3: {  	s21 =	sadd.s32 $0xFFFFFFFF, s21;
	s14 =	sadd.s32 $0x280, s13;
	s12 =	sadd.s32 $0x500, s13;
	[tilespmem:$0x6810] =	vst v0  }
0xa4: {  	s11 =	sadd.s32 $0x780, s13;
	s10 =	sadd.s32 $0xA00, s13;
	s9 =	sadd.s32 $0xC80, s13;
	v0 =	vld.idx.msk [tilespmem:v2+s6+$0x0], $0xffff  }
.LBB2_1:
0xa5: {  	p0 =	sne.s32 s21, $0x1;
	s21 =	sadd.s32 $0xFFFFFFFF, s21;
	_ =	sdelay $0x4  }
0xa6: {  	[tilespmem:$0x6910] =	vst v0  }
0xa7: {  	[hbm4b:s13+s2] =	stream.linear.scatter [tilespmem:s20], [sflag:$0x1], $0xA0, $0x38;
	[tilespmem:$0x6980] =	vst v63  }
0xa8: {  	_ =	swait.ge [sflag:s3], $0xA0  }
0xa9: {  	[sflag:s3] =	ssyncset.done $0x0  }
0xaa: {  	[sflag:s3] =	ssyncadd.s32 $0xFFFFFF60  }
0xab: {  	[hbm4b:s14+s2] =	stream.linear.scatter [tilespmem:s19], [sflag:$0x1], $0xA0, $0x38;
	[tilespmem:$0x6980] =	vst v63  }
0xac: {  	_ =	swait.ge [sflag:s3], $0xA0  }
0xad: {  	[sflag:s3] =	ssyncset.done $0x0  }
0xae: {  	[sflag:s3] =	ssyncadd.s32 $0xFFFFFF60  }
0xaf: {  	[hbm4b:s12+s2] =	stream.linear.scatter [tilespmem:s18], [sflag:$0x1], $0xA0, $0x38;
	[tilespmem:$0x6980] =	vst v63  }
0xb0: {  	_ =	swait.ge [sflag:s3], $0xA0  }
0xb1: {  	[sflag:s3] =	ssyncset.done $0x0  }
0xb2: {  	[sflag:s3] =	ssyncadd.s32 $0xFFFFFF60  }
0xb3: {  	[hbm4b:s11+s2] =	stream.linear.scatter [tilespmem:s17], [sflag:$0x1], $0xA0, $0x38;
	[tilespmem:$0x6980] =	vst v63  }
0xb4: {  	_ =	swait.ge [sflag:s3], $0xA0  }
0xb5: {  	[sflag:s3] =	ssyncset.done $0x0  }
0xb6: {  	[sflag:s3] =	ssyncadd.s32 $0xFFFFFF60  }
0xb7: {  	[hbm4b:s10+s2] =	stream.linear.scatter [tilespmem:s16], [sflag:$0x1], $0xA0, $0x38;
	[tilespmem:$0x6980] =	vst v63  }
0xb8: {  	_ =	swait.ge [sflag:s3], $0xA0  }
0xb9: {  	[sflag:s3] =	ssyncset.done $0x0  }
0xba: {  	[sflag:s3] =	ssyncadd.s32 $0xFFFFFF60  }
0xbb: {  	[hbm4b:s9+s2] =	stream.linear.scatter [tilespmem:s15], [sflag:$0x1], $0xA0, $0x38;
	[tilespmem:$0x6980] =	vst v63  }
0xbc: {  	_ =	swait.ge [sflag:s3], $0xA0  }
0xbd: {  	[sflag:s3] =	ssyncset.done $0x0  }
0xbe: {  	[sflag:s3] =	ssyncadd.s32 $0xFFFFFF60  }
0xbf: {  	[tilespmem:s2], [sflag:$0x1] =	stream.linear.gather [hbm4b:s5+s2], $0x4E80, $0x38;
	[tilespmem:$0x6980] =	vst v63  }
0xc0: {  	_ =	swait.ge [sflag:s3], $0x4E80  }
0xc1: {  	[sflag:s3] =	ssyncset.done $0x0  }
0xc2: {  	[sflag:s3] =	ssyncadd.s32 $0xFFFFB180  }
0xc3: {  	[tilespmem:s6], [sflag:$0x1] =	stream.linear.gather [hbm4b:s4+s2], $0x1400, $0x38;
	[tilespmem:$0x6980] =	vst v63  }
0xc4: {  	_ =	swait.ge [sflag:s3], $0x1400  }
0xc5: {  	[sflag:s3] =	ssyncset.done $0x0  }
0xc6: {  	[sflag:s3] =	ssyncadd.s32 $0xFFFFEC00  }
0xc7: {  	[tilespmem:s8], [sflag:$0x1] =	stream.linear.gather [hbm4b:s7+s2], $0xA0, $0x38;
	[tilespmem:$0x6980] =	vst v63  }
0xc8: {  	_ =	swait.ge [sflag:s3], $0xA0  }
0xc9: {  	[sflag:s3] =	ssyncset.done $0x0  }
0xca: {  	[sflag:s3] =	ssyncadd.s32 $0xFFFFFF60  }
0xcb: {  	v0 =	vld [tilespmem:$0x6280];
	_ =	sdelay $0x4  }
0xcc: {  	v1 =	vshll.u32 v0, $0x2  }
0xcd: {  	v2 =	vor.u32 $0x1, v1;
	v3 =	vor.u32 $0x2, v1;
	v4 =	vor.u32 $0x3, v1;
	_ =	sdelay $0x3  }
0xce: {  	v1 =	vld.idx.msk [tilespmem:v1+s2+$0x0], $0xffff  }
0xcf: {  	v4 =	vld.idx.msk [tilespmem:v4+s2+$0x0], $0xffff  }
0xd0: {  	v2 =	vld.idx.msk [tilespmem:v2+s2+$0x0], $0xffff  }
0xd1: {  	v3 =	vld.idx.msk [tilespmem:v3+s2+$0x0], $0xffff;
	_ =	sdelay $0x3  }
0xd2: {  	[tilespmem:$0x6680] =	vst v4  }
0xd3: {  	[tilespmem:$0x6480] =	vst v2;
	v2 =	vsub.f32 v4, v2  }
0xd4: {  	[tilespmem:$0x6580] =	vst v3;
	v3 =	vsub.f32 v3, v1;
	_ =	sdelay $0x1  }
0xd5: {  	v2 =	vmul.f32 v2, v3;
	v3 =	vld [tilespmem:$0x6290]  }
0xd6: {  	[tilespmem:$0x6380] =	vst v1  }
0xd7: {  	[tilespmem:$0x6780] =	vst v2  }
0xd8: {  	v0 =	vld.idx.msk [tilespmem:v0+s6+$0x0], $0xffff;
	_ =	sdelay $0x1  }
0xd9: {  	v1 =	vshll.u32 v3, $0x2  }
0xda: {  	v2 =	vor.u32 $0x2, v1  }
0xdb: {  	v4 =	vor.u32 $0x1, v1  }
0xdc: {  	v5 =	vor.u32 $0x3, v1  }
0xdd: {  	[tilespmem:$0x6880] =	vst v0  }
0xde: {  	v0 =	vld.idx.msk [tilespmem:v1+s2+$0x0], $0xffff  }
0xdf: {  	v1 =	vld.idx.msk [tilespmem:v2+s2+$0x0], $0xffff  }
0xe0: {  	v2 =	vld.idx.msk [tilespmem:v4+s2+$0x0], $0xffff  }
0xe1: {  	v4 =	vld.idx.msk [tilespmem:v5+s2+$0x0], $0xffff;
	_ =	sdelay $0x2  }
0xe2: {  	[tilespmem:$0x6390] =	vst v0  }
0xe3: {  	[tilespmem:$0x6590] =	vst v1  }
0xe4: {  	v0 =	vsub.f32 v1, v0;
	[tilespmem:$0x6490] =	vst v2  }
0xe5: {  	v1 =	vsub.f32 v4, v2;
	[tilespmem:$0x6690] =	vst v4  }
0xe6: {  	v2 =	vld [tilespmem:$0x62A0]  }
0xe7: {  	v0 =	vmul.f32 v1, v0;
	_ =	sdelay $0x1  }
0xe8: {  	[tilespmem:$0x6790] =	vst v0  }
0xe9: {  	v0 =	vld.idx.msk [tilespmem:v3+s6+$0x0], $0xffff  }
0xea: {  	v1 =	vshll.u32 v2, $0x2  }
0xeb: {  	v3 =	vor.u32 $0x1, v1  }
0xec: {  	v4 =	vor.u32 $0x2, v1;
	_ =	sdelay $0x1  }
0xed: {  	v5 =	vor.u32 $0x3, v1  }
0xee: {  	[tilespmem:$0x6890] =	vst v0  }
0xef: {  	v0 =	vld.idx.msk [tilespmem:v3+s2+$0x0], $0xffff  }
0xf0: {  	v3 =	vld.idx.msk [tilespmem:v4+s2+$0x0], $0xffff  }
0xf1: {  	v1 =	vld.idx.msk [tilespmem:v1+s2+$0x0], $0xffff  }
0xf2: {  	v4 =	vld.idx.msk [tilespmem:v5+s2+$0x0], $0xffff;
	_ =	sdelay $0x2  }
0xf3: {  	[tilespmem:$0x64A0] =	vst v0  }
0xf4: {  	[tilespmem:$0x65A0] =	vst v3  }
0xf5: {  	[tilespmem:$0x63A0] =	vst v1;
	v1 =	vsub.f32 v3, v1  }
0xf6: {  	v0 =	vsub.f32 v4, v0;
	[tilespmem:$0x66A0] =	vst v4  }
0xf7: {  	v3 =	vld [tilespmem:$0x62B0]  }
0xf8: {  	v0 =	vmul.f32 v0, v1;
	_ =	sdelay $0x1  }
0xf9: {  	[tilespmem:$0x67A0] =	vst v0  }
0xfa: {  	v0 =	vld.idx.msk [tilespmem:v2+s6+$0x0], $0xffff  }
0xfb: {  	v1 =	vshll.u32 v3, $0x2  }
0xfc: {  	v2 =	vor.u32 $0x1, v1  }
0xfd: {  	v4 =	vor.u32 $0x3, v1  }
0xfe: {  	v5 =	vor.u32 $0x2, v1;
	_ =	sdelay $0x1  }
0xff: {  	[tilespmem:$0x68A0] =	vst v0  }
0x100: {  	v0 =	vld.idx.msk [tilespmem:v2+s2+$0x0], $0xffff  }
0x101: {  	v2 =	vld.idx.msk [tilespmem:v4+s2+$0x0], $0xffff  }
0x102: {  	v4 =	vld.idx.msk [tilespmem:v5+s2+$0x0], $0xffff  }
0x103: {  	v1 =	vld.idx.msk [tilespmem:v1+s2+$0x0], $0xffff;
	_ =	sdelay $0x2  }
0x104: {  	[tilespmem:$0x64B0] =	vst v0  }
0x105: {  	v0 =	vsub.f32 v2, v0;
	[tilespmem:$0x66B0] =	vst v2  }
0x106: {  	[tilespmem:$0x65B0] =	vst v4  }
0x107: {  	[tilespmem:$0x63B0] =	vst v1;
	v1 =	vsub.f32 v4, v1  }
0x108: {  	v2 =	vld [tilespmem:$0x62C0]  }
0x109: {  	v0 =	vmul.f32 v0, v1;
	_ =	sdelay $0x1  }
0x10a: {  	[tilespmem:$0x67B0] =	vst v0  }
0x10b: {  	v0 =	vld.idx.msk [tilespmem:v3+s6+$0x0], $0xffff  }
0x10c: {  	v1 =	vshll.u32 v2, $0x2  }
0x10d: {  	v3 =	vor.u32 $0x3, v1;
	_ =	sdelay $0x1  }
0x10e: {  	v4 =	vor.u32 $0x1, v1  }
0x10f: {  	v5 =	vor.u32 $0x2, v1  }
0x110: {  	[tilespmem:$0x68B0] =	vst v0  }
0x111: {  	v0 =	vld.idx.msk [tilespmem:v3+s2+$0x0], $0xffff  }
0x112: {  	v1 =	vld.idx.msk [tilespmem:v1+s2+$0x0], $0xffff  }
0x113: {  	v3 =	vld.idx.msk [tilespmem:v4+s2+$0x0], $0xffff  }
0x114: {  	v4 =	vld.idx.msk [tilespmem:v5+s2+$0x0], $0xffff;
	_ =	sdelay $0x2  }
0x115: {  	[tilespmem:$0x66C0] =	vst v0  }
0x116: {  	[tilespmem:$0x63C0] =	vst v1  }
0x117: {  	v0 =	vsub.f32 v0, v3;
	[tilespmem:$0x64C0] =	vst v3  }
0x118: {  	v1 =	vsub.f32 v4, v1;
	[tilespmem:$0x65C0] =	vst v4  }
0x119: {  	v3 =	vld [tilespmem:$0x62D0]  }
0x11a: {  	v0 =	vmul.f32 v0, v1;
	_ =	sdelay $0x1  }
0x11b: {  	[tilespmem:$0x67C0] =	vst v0  }
0x11c: {  	v0 =	vld.idx.msk [tilespmem:v2+s6+$0x0], $0xffff  }
0x11d: {  	v1 =	vshll.u32 v3, $0x2  }
0x11e: {  	v2 =	vor.u32 $0x2, v1  }
0x11f: {  	v4 =	vor.u32 $0x1, v1;
	_ =	sdelay $0x1  }
0x120: {  	v5 =	vor.u32 $0x3, v1  }
0x121: {  	[tilespmem:$0x68C0] =	vst v0  }
0x122: {  	v0 =	vld.idx.msk [tilespmem:v2+s2+$0x0], $0xffff  }
0x123: {  	v2 =	vld.idx.msk [tilespmem:v4+s2+$0x0], $0xffff  }
0x124: {  	v1 =	vld.idx.msk [tilespmem:v1+s2+$0x0], $0xffff  }
0x125: {  	v4 =	vld.idx.msk [tilespmem:v5+s2+$0x0], $0xffff;
	_ =	sdelay $0x2  }
0x126: {  	[tilespmem:$0x65D0] =	vst v0  }
0x127: {  	[tilespmem:$0x64D0] =	vst v2  }
0x128: {  	v0 =	vsub.f32 v0, v1;
	[tilespmem:$0x63D0] =	vst v1  }
0x129: {  	v1 =	vsub.f32 v4, v2;
	[tilespmem:$0x66D0] =	vst v4  }
0x12a: {  	v2 =	vld [tilespmem:$0x62E0]  }
0x12b: {  	v0 =	vmul.f32 v1, v0;
	_ =	sdelay $0x1  }
0x12c: {  	[tilespmem:$0x67D0] =	vst v0  }
0x12d: {  	v0 =	vld.idx.msk [tilespmem:v3+s6+$0x0], $0xffff  }
0x12e: {  	v1 =	vshll.u32 v2, $0x2  }
0x12f: {  	v3 =	vor.u32 $0x2, v1  }
0x130: {  	v4 =	vor.u32 $0x3, v1  }
0x131: {  	v5 =	vor.u32 $0x1, v1;
	_ =	sdelay $0x1  }
0x132: {  	[tilespmem:$0x68D0] =	vst v0  }
0x133: {  	v0 =	vld.idx.msk [tilespmem:v3+s2+$0x0], $0xffff  }
0x134: {  	v3 =	vld.idx.msk [tilespmem:v4+s2+$0x0], $0xffff  }
0x135: {  	v4 =	vld.idx.msk [tilespmem:v5+s2+$0x0], $0xffff  }
0x136: {  	v1 =	vld.idx.msk [tilespmem:v1+s2+$0x0], $0xffff;
	_ =	sdelay $0x2  }
0x137: {  	[tilespmem:$0x65E0] =	vst v0  }
0x138: {  	[tilespmem:$0x66E0] =	vst v3  }
0x139: {  	v3 =	vsub.f32 v3, v4;
	[tilespmem:$0x64E0] =	vst v4  }
0x13a: {  	v0 =	vsub.f32 v0, v1;
	[tilespmem:$0x63E0] =	vst v1  }
0x13b: {  	v1 =	vld [tilespmem:$0x62F0]  }
0x13c: {  	v0 =	vmul.f32 v3, v0;
	_ =	sdelay $0x1  }
0x13d: {  	[tilespmem:$0x67E0] =	vst v0  }
0x13e: {  	v0 =	vld.idx.msk [tilespmem:v2+s6+$0x0], $0xffff  }
0x13f: {  	v2 =	vshll.u32 v1, $0x2  }
0x140: {  	v3 =	vor.u32 $0x3, v2  }
0x141: {  	v4 =	vor.u32 $0x2, v2;
	_ =	sdelay $0x1  }
0x142: {  	v5 =	vor.u32 $0x1, v2  }
0x143: {  	[tilespmem:$0x68E0] =	vst v0  }
0x144: {  	v0 =	vld.idx.msk [tilespmem:v3+s2+$0x0], $0xffff  }
0x145: {  	v3 =	vld.idx.msk [tilespmem:v4+s2+$0x0], $0xffff  }
0x146: {  	v2 =	vld.idx.msk [tilespmem:v2+s2+$0x0], $0xffff  }
0x147: {  	v4 =	vld.idx.msk [tilespmem:v5+s2+$0x0], $0xffff;
	_ =	sdelay $0x2  }
0x148: {  	[tilespmem:$0x66F0] =	vst v0  }
0x149: {  	[tilespmem:$0x65F0] =	vst v3  }
0x14a: {  	[tilespmem:$0x63F0] =	vst v2;
	v2 =	vsub.f32 v3, v2  }
0x14b: {  	v0 =	vsub.f32 v0, v4;
	[tilespmem:$0x64F0] =	vst v4  }
0x14c: {  	v3 =	vld [tilespmem:$0x6300]  }
0x14d: {  	v0 =	vmul.f32 v0, v2;
	_ =	sdelay $0x1  }
0x14e: {  	[tilespmem:$0x67F0] =	vst v0  }
0x14f: {  	v0 =	vld.idx.msk [tilespmem:v1+s6+$0x0], $0xffff  }
0x150: {  	v1 =	vshll.u32 v3, $0x2  }
0x151: {  	v2 =	vor.u32 $0x2, v1  }
0x152: {  	v4 =	vor.u32 $0x1, v1;
	_ =	sdelay $0x1  }
0x153: {  	v5 =	vor.u32 $0x3, v1  }
0x154: {  	[tilespmem:$0x68F0] =	vst v0  }
0x155: {  	v0 =	vld.idx.msk [tilespmem:v2+s2+$0x0], $0xffff  }
0x156: {  	v2 =	vld.idx.msk [tilespmem:v4+s2+$0x0], $0xffff  }
0x157: {  	v1 =	vld.idx.msk [tilespmem:v1+s2+$0x0], $0xffff  }
0x158: {  	v4 =	vld.idx.msk [tilespmem:v5+s2+$0x0], $0xffff;
	_ =	sdelay $0x2  }
0x159: {  	[tilespmem:$0x6600] =	vst v0  }
0x15a: {  	[tilespmem:$0x6500] =	vst v2  }
0x15b: {  	v0 =	vsub.f32 v0, v1;
	[tilespmem:$0x6400] =	vst v1  }
0x15c: {  	v1 =	vsub.f32 v4, v2;
	[tilespmem:$0x6700] =	vst v4;
	_ =	sdelay $0x1  }
0x15d: {  	v0 =	vmul.f32 v1, v0;
	v1 =	vld [tilespmem:$0x6310];
	_ =	sdelay $0x1  }
0x15e: {  	[tilespmem:$0x6800] =	vst v0  }
0x15f: {  	v0 =	vld.idx.msk [tilespmem:v3+s6+$0x0], $0xffff;
	_ =	sdelay $0x1  }
0x160: {  	v2 =	vshll.u32 v1, $0x2  }
0x161: {  	v3 =	vor.u32 $0x1, v2  }
0x162: {  	v4 =	vor.u32 $0x2, v2;
	v5 =	vor.u32 $0x3, v2;
	_ =	sdelay $0x1  }
0x163: {  	[tilespmem:$0x6900] =	vst v0  }
0x164: {  	v0 =	vld.idx.msk [tilespmem:v2+s2+$0x0], $0xffff  }
0x165: {  	v2 =	vld.idx.msk [tilespmem:v3+s2+$0x0], $0xffff  }
0x166: {  	v3 =	vld.idx.msk [tilespmem:v5+s2+$0x0], $0xffff  }
0x167: {  	v4 =	vld.idx.msk [tilespmem:v4+s2+$0x0], $0xffff;
	_ =	sdelay $0x2  }
0x168: {  	[tilespmem:$0x6410] =	vst v0  }
0x169: {  	[tilespmem:$0x6510] =	vst v2  }
0x16a: {  	v2 =	vsub.f32 v3, v2;
	[tilespmem:$0x6710] =	vst v3  }
0x16b: {  	v0 =	vsub.f32 v4, v0;
	[tilespmem:$0x6610] =	vst v4  }
.Ltmp1:
0x16c: {  	(pc) =	sbr.rel @p0 .LBB2_1-.Ltmp1, $3  }
0x16d: {  	v0 =	vmul.f32 v2, v0;
	_ =	sdelay $0x1  }
0x16e: {  	[tilespmem:$0x6810] =	vst v0  }
0x16f: {  	v0 =	vld.idx.msk [tilespmem:v1+s6+$0x0], $0xffff  }
.LBB2_2:
0x170: {  	_ =	sdelay $0x3  }
0x171: {  	[tilespmem:$0x6910] =	vst v0  }
0x172: {  	[hbm4b:s13+s2] =	stream.linear.scatter [tilespmem:s20], [sflag:$0x1], $0xA0, $0x38;
	[tilespmem:$0x6980] =	vst v63  }
0x173: {  	_ =	swait.ge [sflag:s3], $0xA0  }
0x174: {  	[sflag:s3] =	ssyncset.done $0x0  }
0x175: {  	[sflag:s3] =	ssyncadd.s32 $0xFFFFFF60  }
0x176: {  	[hbm4b:s14+s2] =	stream.linear.scatter [tilespmem:s19], [sflag:$0x1], $0xA0, $0x38;
	[tilespmem:$0x6980] =	vst v63  }
0x177: {  	_ =	swait.ge [sflag:s3], $0xA0  }
0x178: {  	[sflag:s3] =	ssyncset.done $0x0  }
0x179: {  	[sflag:s3] =	ssyncadd.s32 $0xFFFFFF60  }
0x17a: {  	[hbm4b:s12+s2] =	stream.linear.scatter [tilespmem:s18], [sflag:$0x1], $0xA0, $0x38;
	[tilespmem:$0x6980] =	vst v63  }
0x17b: {  	_ =	swait.ge [sflag:s3], $0xA0  }
0x17c: {  	[sflag:s3] =	ssyncset.done $0x0  }
0x17d: {  	[sflag:s3] =	ssyncadd.s32 $0xFFFFFF60  }
0x17e: {  	[hbm4b:s11+s2] =	stream.linear.scatter [tilespmem:s17], [sflag:$0x1], $0xA0, $0x38;
	[tilespmem:$0x6980] =	vst v63  }
0x17f: {  	_ =	swait.ge [sflag:s3], $0xA0  }
0x180: {  	[sflag:s3] =	ssyncset.done $0x0  }
0x181: {  	[sflag:s3] =	ssyncadd.s32 $0xFFFFFF60  }
0x182: {  	[hbm4b:s10+s2] =	stream.linear.scatter [tilespmem:s16], [sflag:$0x1], $0xA0, $0x38;
	[tilespmem:$0x6980] =	vst v63  }
0x183: {  	_ =	swait.ge [sflag:s3], $0xA0  }
0x184: {  	[sflag:s3] =	ssyncset.done $0x0  }
0x185: {  	[sflag:s3] =	ssyncadd.s32 $0xFFFFFF60  }
0x186: {  	[hbm4b:s9+s2] =	stream.linear.scatter [tilespmem:s15], [sflag:$0x1], $0xA0, $0x38;
	[tilespmem:$0x6980] =	vst v63  }
0x187: {  	_ =	swait.ge [sflag:s3], $0xA0  }
0x188: {  	[sflag:s3] =	ssyncset.done $0x0  }
0x189: {  	[sflag:s3] =	ssyncadd.s32 $0xFFFFFF60  }
0x18a: {  	_ =	sfence.sel $0x180000  }
0x18b: {  	[bflag:$0x0] =	sbarrier.arrive $0xFFFF  }
0x18c: {  	p0 =	sne.s32 s1, $0x0;
	_ =	strace $0x90000047  }
0x18d: {  	s0 =	sadd.s32 @!p0 $0x100000, s0;
	[bflag:$0x2] =	sbarrier.arrive $0xFFFF  }
0x18e: {  	[sflag:s0] =	ssyncadd.tile.s32 @!p0 $0x1;
	_ =	shalt  }
.Lfunc_end2:
_tile_overlayer_lowered:
.L_overlay_start_2:
0x18f: {  	(tag) =	ssettag $0x2  }
0x190: {  	s0 =	rddreg [dreg:$0x0];
	s2 =	stileid.u32  }
0x191: {  	s1 =	rddreg [dreg:$0x1];
	p0 =	sne.s32 s2, $0x0  }
0x192: {  	s3 =	rddreg [dreg:$0x2];
	[bflag:$0x3] =	sbarrier.arrive $0xFFFF;
	s2 =	simm.s32 @!p0 $0x1C01  }
0x193: {  	[timem:s3], [sflag:s2] =	dma.local @!p0 [hbm:s0], s1  }
0x194: {  	s0 =	simm.s32 @!p0 $0x1  }
0x195: {  	_ =	swait.ge @!p0 [sflag:s0], s1  }
0x196: {  	s1 =	ssub.s32 @!p0 $0x0, s1;
	[sflag:s0] =	ssyncset.done @!p0 $0x0  }
0x197: {  	[sflag:s0] =	ssyncadd.s32 @!p0 s1  }
0x198: {  	[bflag:$0x3] =	sbarrier.arrive $0xFFFF  }
0x199: {  	_ =	shalt  }

</sc_bundles>
